<compile_context>
chip_gen: v7x
topology: tpu7x:2x2x1
jax: 0.10.2.dev20260603
libtpu: 0.0.44.dev20260713+nightly
codegen_flags: <defaults>
</compile_context>

<pallas_src>
import functools

import jax
import jax.numpy as jnp
from jax import lax
from jax.experimental import pallas as pl
from jax.experimental.pallas import tpu as pltpu
from jax.experimental.pallas import tpu_sc as plsc

BATCH = 16384
LATENT_DIM = 16
NUM_CORES = 2
NUM_SUBCORES = 16
NUM_WORKERS = NUM_CORES * NUM_SUBCORES
ROWS_PER_WORKER = BATCH // NUM_WORKERS
IDX_CHUNK = 128
NUM_CHUNKS = ROWS_PER_WORKER // IDX_CHUNK
GROUPS = ROWS_PER_WORKER // LATENT_DIM


def _gmf_body(uidx_hbm, iidx_hbm, emb_u_hbm, emb_i_hbm, wrot_hbm, b_hbm,
              out_hbm, uidx_v, iidx_v, u_rows, i_rows, wrot_v, b_v, out_v, sem):
    wid = lax.axis_index("c") * NUM_SUBCORES + lax.axis_index("s")

    pltpu.sync_copy(uidx_hbm.at[wid], uidx_v)
    pltpu.sync_copy(iidx_hbm.at[wid], iidx_v)
    pltpu.sync_copy(wrot_hbm, wrot_v)
    pltpu.sync_copy(b_hbm, b_v)

    descs = []
    for j in range(NUM_CHUNKS):
        dst = pl.ds(j * IDX_CHUNK, IDX_CHUNK)
        descs.append(pltpu.async_copy(emb_u_hbm.at[uidx_v.at[j]], u_rows.at[dst], sem))
        descs.append(pltpu.async_copy(emb_i_hbm.at[iidx_v.at[j]], i_rows.at[dst], sem))
    for d in descs:
        d.wait()

    iota16 = lax.iota(jnp.int32, 16)
    col_ids = [(iota16 + d) & 15 for d in range(LATENT_DIM)]
    w_rots = [wrot_v[d] for d in range(LATENT_DIM)]
    b_reg = b_v[...]

    def group(g, carry):
        row_ids = g * 16 + iota16
        acc = jnp.zeros((16,), jnp.float32)
        for d in range(LATENT_DIM):
            uc = plsc.load_gather(u_rows, [row_ids, col_ids[d]])
            ic = plsc.load_gather(i_rows, [row_ids, col_ids[d]])
            acc = acc + uc * ic * w_rots[d]
        logits = acc + b_reg
        rating = 1.0 / (1.0 + jnp.exp(-logits))
        out_v[pl.ds(g * 16, 16)] = rating
        return carry

    lax.fori_loop(0, GROUPS, group, 0)

    pltpu.sync_copy(out_v, out_hbm.at[pl.ds(wid * ROWS_PER_WORKER, ROWS_PER_WORKER)])


@jax.jit
def _gmf(uidx3, iidx3, emb_u, emb_i, wrot, b16):
    mesh = plsc.VectorSubcoreMesh(core_axis_name="c", subcore_axis_name="s")
    f = functools.partial(
        pl.kernel,
        mesh=mesh,
        out_type=jax.ShapeDtypeStruct((BATCH,), jnp.float32),
        compiler_params=pltpu.CompilerParams(
            needs_layout_passes=False, use_tc_tiling_on_sc=False),
        scratch_types=[
            pltpu.VMEM((NUM_CHUNKS, IDX_CHUNK), jnp.int32),
            pltpu.VMEM((NUM_CHUNKS, IDX_CHUNK), jnp.int32),
            pltpu.VMEM((ROWS_PER_WORKER, LATENT_DIM), jnp.float32),
            pltpu.VMEM((ROWS_PER_WORKER, LATENT_DIM), jnp.float32),
            pltpu.VMEM((LATENT_DIM, LATENT_DIM), jnp.float32),
            pltpu.VMEM((LATENT_DIM,), jnp.float32),
            pltpu.VMEM((ROWS_PER_WORKER,), jnp.float32),
            pltpu.SemaphoreType.DMA,
        ],
    )(_gmf_body)
    return f(uidx3, iidx3, emb_u, emb_i, wrot, b16)


def kernel(user_indices, item_indices, domain_idc, embedding_user,
           embedding_item, affine_W, affine_b):
    del domain_idc
    uidx3 = user_indices.reshape(NUM_WORKERS, NUM_CHUNKS, IDX_CHUNK)
    iidx3 = item_indices.reshape(NUM_WORKERS, NUM_CHUNKS, IDX_CHUNK)
    w16 = affine_W.reshape(LATENT_DIM)
    wrot = jnp.stack([jnp.roll(w16, -d) for d in range(LATENT_DIM)])
    b16 = jnp.broadcast_to(affine_b, (LATENT_DIM,))
    out = _gmf(uidx3, iidx3, embedding_user, embedding_item, wrot, b16)
    return out.reshape(BATCH, 1)

# --- scband reference (transcript-rebuilt; emitter-appended) ---
"""Pipeline reference for scband-gmf-16389595202105 (READ-ONLY COPY).

The authoritative reference and input builder live on the scoring server;
editing this copy changes nothing except your own understanding.
"""

import jax, jax.numpy as jnp
import numpy as np

NUM_USERS = 1000000
NUM_ITEMS = 1000000
LATENT_DIM = 16
BATCH = 16384

def setup_inputs(seed: int = 0) -> dict:
    key = jax.random.key(seed)
    k1, k2, k3, k4, k5, k6 = jax.random.split(key, 6)
    user_indices = jax.random.randint(k1, (BATCH,), 0, NUM_USERS, dtype=jnp.int64) if jax.config.jax_enable_x64 else jax.random.randint(k1, (BATCH,), 0, NUM_USERS, dtype=jnp.int32)
    item_indices = jax.random.randint(k2, (BATCH,), 0, NUM_ITEMS, dtype=jnp.int32)
    user_indices = user_indices.astype(jnp.int32)
    embedding_user = jax.random.normal(k3, (NUM_USERS, LATENT_DIM), dtype=jnp.float32)
    embedding_item = jax.random.normal(k4, (NUM_ITEMS, LATENT_DIM), dtype=jnp.float32)
    # affine_output: Linear(latent_dim -> 1), PyTorch default init
    bound = 1.0 / np.sqrt(LATENT_DIM)
    affine_W = jax.random.uniform(k5, (1, LATENT_DIM), minval=-bound, maxval=bound, dtype=jnp.float32)
    affine_b = jax.random.uniform(k6, (1,), minval=-bound, maxval=bound, dtype=jnp.float32)
    return {
        "user_indices": user_indices,
        "item_indices": item_indices,
        "domain_idc": 0,
        "embedding_user": embedding_user,
        "embedding_item": embedding_item,
        "affine_W": affine_W,
        "affine_b": affine_b,
    }

def reference(user_indices, item_indices, domain_idc, embedding_user, embedding_item, affine_W, affine_b):
    # embedding lookups (gather)
    user_embedding = jnp.take(embedding_user, user_indices, axis=0)  # [B, D]
    item_embedding = jnp.take(embedding_item, item_indices, axis=0)  # [B, D]
    element_product = user_embedding * item_embedding                # [B, D]
    logits = element_product @ affine_W.T + affine_b                 # [B, 1]
    rating = jax.nn.sigmoid(logits)
    return rating

if __name__ == "__main__":
    import jax
    _d = setup_inputs()
    print(jax.jit(kernel)(*tuple(_d.values())))

</pallas_src>

<mosaic_0001>
#map = affine_map<(d0, d1) -> (0, 0, 0)>
#map1 = affine_map<(d0, d1) -> (0, 0)>
#map2 = affine_map<(d0, d1) -> (0)>
module attributes {stable_mosaic.version = 14 : i64} {
  func.func @_gmf_body(%arg0: i32, %arg1: i32, %arg2: memref<32x4x128xi32, #tpu.memory_space<hbm>>, %arg3: memref<32x4x128xi32, #tpu.memory_space<hbm>>, %arg4: memref<1000000x16xf32, #tpu.memory_space<hbm>>, %arg5: memref<1000000x16xf32, #tpu.memory_space<hbm>>, %arg6: memref<16x16xf32, #tpu.memory_space<hbm>>, %arg7: memref<16xf32, #tpu.memory_space<hbm>>, %arg8: memref<16384xf32, #tpu.memory_space<hbm>>, %arg9: memref<4x128xi32, #tpu.memory_space<vmem>>, %arg10: memref<4x128xi32, #tpu.memory_space<vmem>>, %arg11: memref<512x16xf32, #tpu.memory_space<vmem>>, %arg12: memref<512x16xf32, #tpu.memory_space<vmem>>, %arg13: memref<16x16xf32, #tpu.memory_space<vmem>>, %arg14: memref<16xf32, #tpu.memory_space<vmem>>, %arg15: memref<512xf32, #tpu.memory_space<vmem>>, %arg16: memref<!tpu.dma_semaphore, #tpu.memory_space<semaphore_mem>>) attributes {dimension_semantics = [#tpu.dimension_semantics<core_parallel>, #tpu.dimension_semantics<subcore_parallel>], iteration_bounds = array<i64: 2, 16>, scalar_prefetch = 0 : i64, scratch_operands = 8 : i64, tpu.core_type = #tpu.core_type<sc_vector_subcore>, window_params = [{transform_indices = #map}, {transform_indices = #map}, {transform_indices = #map1}, {transform_indices = #map1}, {transform_indices = #map1}, {transform_indices = #map2}, {transform_indices = #map2}]} {
    %mul3A = arith.constant 16 : i32
    %mul3A_0 = arith.muli %arg0, %mul3A : i32
    %add3A = arith.addi %mul3A_0, %arg1 : i32
    "tpu.region"() ({
      %run_scoped3A = tpu.sem_alloc : memref<!tpu.dma_semaphore, #tpu.memory_space<semaphore_mem>>
      %dma_start3A_326 = arith.constant 0 : i32
      %dma_start3A_327 = arith.constant 0 : i32
      %dma_start3A_328 = tpu.memref_slice %arg2[%add3A, %dma_start3A_326, %dma_start3A_327] : memref<32x4x128xi32, #tpu.memory_space<hbm>> -> memref<1x4x128xi32, #tpu.memory_space<hbm>>
      %dma_start3A_329 = tpu.memref_squeeze %dma_start3A_328 : memref<1x4x128xi32, #tpu.memory_space<hbm>> -> memref<4x128xi32, #tpu.memory_space<hbm>>
      %dma_start3A_330 = arith.constant 0 : i32
      %dma_start3A_331 = arith.constant 0 : i32
      %dma_start3A_332 = tpu.memref_slice %arg2[%add3A, %dma_start3A_330, %dma_start3A_331] : memref<32x4x128xi32, #tpu.memory_space<hbm>> -> memref<1x4x128xi32, #tpu.memory_space<hbm>>
      %dma_start3A_333 = tpu.memref_squeeze %dma_start3A_332 : memref<1x4x128xi32, #tpu.memory_space<hbm>> -> memref<4x128xi32, #tpu.memory_space<hbm>>
      tpu.enqueue_dma source(%dma_start3A_333 : memref<4x128xi32, #tpu.memory_space<hbm>>) target(%arg9 : memref<4x128xi32, #tpu.memory_space<vmem>>) target_semaphore(%run_scoped3A : memref<!tpu.dma_semaphore, #tpu.memory_space<semaphore_mem>>)
      %dma_wait3A_334 = arith.constant 0 : i32
      %dma_wait3A_335 = arith.constant 0 : i32
      %dma_wait3A_336 = tpu.memref_slice %arg2[%add3A, %dma_wait3A_334, %dma_wait3A_335] : memref<32x4x128xi32, #tpu.memory_space<hbm>> -> memref<1x4x128xi32, #tpu.memory_space<hbm>>
      %dma_wait3A_337 = tpu.memref_squeeze %dma_wait3A_336 : memref<1x4x128xi32, #tpu.memory_space<hbm>> -> memref<4x128xi32, #tpu.memory_space<hbm>>
      %dma_wait3A_338 = arith.constant 0 : i32
      %dma_wait3A_339 = arith.constant 0 : i32
      %dma_wait3A_340 = tpu.memref_slice %arg2[%add3A, %dma_wait3A_338, %dma_wait3A_339] : memref<32x4x128xi32, #tpu.memory_space<hbm>> -> memref<1x4x128xi32, #tpu.memory_space<hbm>>
      %dma_wait3A_341 = tpu.memref_squeeze %dma_wait3A_340 : memref<1x4x128xi32, #tpu.memory_space<hbm>> -> memref<4x128xi32, #tpu.memory_space<hbm>>
      tpu.wait_dma2 semaphore(%run_scoped3A : memref<!tpu.dma_semaphore, #tpu.memory_space<semaphore_mem>>) src(%dma_wait3A_341 : memref<4x128xi32, #tpu.memory_space<hbm>>) dst(%arg9 : memref<4x128xi32, #tpu.memory_space<vmem>>)
      tpu.yield
    }) : () -> ()
    "tpu.region"() ({
      %run_scoped3A = tpu.sem_alloc : memref<!tpu.dma_semaphore, #tpu.memory_space<semaphore_mem>>
      %dma_start3A_326 = arith.constant 0 : i32
      %dma_start3A_327 = arith.constant 0 : i32
      %dma_start3A_328 = tpu.memref_slice %arg3[%add3A, %dma_start3A_326, %dma_start3A_327] : memref<32x4x128xi32, #tpu.memory_space<hbm>> -> memref<1x4x128xi32, #tpu.memory_space<hbm>>
      %dma_start3A_329 = tpu.memref_squeeze %dma_start3A_328 : memref<1x4x128xi32, #tpu.memory_space<hbm>> -> memref<4x128xi32, #tpu.memory_space<hbm>>
      %dma_start3A_330 = arith.constant 0 : i32
      %dma_start3A_331 = arith.constant 0 : i32
      %dma_start3A_332 = tpu.memref_slice %arg3[%add3A, %dma_start3A_330, %dma_start3A_331] : memref<32x4x128xi32, #tpu.memory_space<hbm>> -> memref<1x4x128xi32, #tpu.memory_space<hbm>>
      %dma_start3A_333 = tpu.memref_squeeze %dma_start3A_332 : memref<1x4x128xi32, #tpu.memory_space<hbm>> -> memref<4x128xi32, #tpu.memory_space<hbm>>
      tpu.enqueue_dma source(%dma_start3A_333 : memref<4x128xi32, #tpu.memory_space<hbm>>) target(%arg10 : memref<4x128xi32, #tpu.memory_space<vmem>>) target_semaphore(%run_scoped3A : memref<!tpu.dma_semaphore, #tpu.memory_space<semaphore_mem>>)
      %dma_wait3A_334 = arith.constant 0 : i32
      %dma_wait3A_335 = arith.constant 0 : i32
      %dma_wait3A_336 = tpu.memref_slice %arg3[%add3A, %dma_wait3A_334, %dma_wait3A_335] : memref<32x4x128xi32, #tpu.memory_space<hbm>> -> memref<1x4x128xi32, #tpu.memory_space<hbm>>
      %dma_wait3A_337 = tpu.memref_squeeze %dma_wait3A_336 : memref<1x4x128xi32, #tpu.memory_space<hbm>> -> memref<4x128xi32, #tpu.memory_space<hbm>>
      %dma_wait3A_338 = arith.constant 0 : i32
      %dma_wait3A_339 = arith.constant 0 : i32
      %dma_wait3A_340 = tpu.memref_slice %arg3[%add3A, %dma_wait3A_338, %dma_wait3A_339] : memref<32x4x128xi32, #tpu.memory_space<hbm>> -> memref<1x4x128xi32, #tpu.memory_space<hbm>>
      %dma_wait3A_341 = tpu.memref_squeeze %dma_wait3A_340 : memref<1x4x128xi32, #tpu.memory_space<hbm>> -> memref<4x128xi32, #tpu.memory_space<hbm>>
      tpu.wait_dma2 semaphore(%run_scoped3A : memref<!tpu.dma_semaphore, #tpu.memory_space<semaphore_mem>>) src(%dma_wait3A_341 : memref<4x128xi32, #tpu.memory_space<hbm>>) dst(%arg10 : memref<4x128xi32, #tpu.memory_space<vmem>>)
      tpu.yield
    }) : () -> ()
    "tpu.region"() ({
      %run_scoped3A = tpu.sem_alloc : memref<!tpu.dma_semaphore, #tpu.memory_space<semaphore_mem>>
      tpu.enqueue_dma source(%arg6 : memref<16x16xf32, #tpu.memory_space<hbm>>) target(%arg13 : memref<16x16xf32, #tpu.memory_space<vmem>>) target_semaphore(%run_scoped3A : memref<!tpu.dma_semaphore, #tpu.memory_space<semaphore_mem>>)
      tpu.wait_dma2 semaphore(%run_scoped3A : memref<!tpu.dma_semaphore, #tpu.memory_space<semaphore_mem>>) src(%arg6 : memref<16x16xf32, #tpu.memory_space<hbm>>) dst(%arg13 : memref<16x16xf32, #tpu.memory_space<vmem>>)
      tpu.yield
    }) : () -> ()
    "tpu.region"() ({
      %run_scoped3A = tpu.sem_alloc : memref<!tpu.dma_semaphore, #tpu.memory_space<semaphore_mem>>
      tpu.enqueue_dma source(%arg7 : memref<16xf32, #tpu.memory_space<hbm>>) target(%arg14 : memref<16xf32, #tpu.memory_space<vmem>>) target_semaphore(%run_scoped3A : memref<!tpu.dma_semaphore, #tpu.memory_space<semaphore_mem>>)
      tpu.wait_dma2 semaphore(%run_scoped3A : memref<!tpu.dma_semaphore, #tpu.memory_space<semaphore_mem>>) src(%arg7 : memref<16xf32, #tpu.memory_space<hbm>>) dst(%arg14 : memref<16xf32, #tpu.memory_space<vmem>>)
      tpu.yield
    }) : () -> ()
    %dma_start3A = arith.constant 0 : i32
    %dma_start3A_1 = arith.constant 0 : i32
    %dma_start3A_2 = arith.constant 0 : i32
    %dma_start3A_3 = tpu.memref_slice %arg11[%dma_start3A_1, %dma_start3A_2] : memref<512x16xf32, #tpu.memory_space<vmem>> -> memref<128x16xf32, #tpu.memory_space<vmem>>
    %dma_start3A_4 = arith.constant 0 : i32
    %dma_start3A_5 = tpu.memref_slice %arg9[%dma_start3A, %dma_start3A_4] : memref<4x128xi32, #tpu.memory_space<vmem>> -> memref<1x128xi32, #tpu.memory_space<vmem>>
    %dma_start3A_6 = tpu.memref_squeeze %dma_start3A_5 : memref<1x128xi32, #tpu.memory_space<vmem>> -> memref<128xi32, #tpu.memory_space<vmem>>
    %dma_start3A_7 = arith.constant 0 : i32
    %dma_start3A_8 = arith.constant 0 : i32
    %dma_start3A_9 = tpu.memref_slice %arg4[%dma_start3A_7, %dma_start3A_8] : memref<1000000x16xf32, #tpu.memory_space<hbm>> -> memref<1000000x16xf32, #tpu.memory_space<hbm>>
    tpu.enqueue_indirect_dma source(%dma_start3A_9 : memref<1000000x16xf32, #tpu.memory_space<hbm>>) target(%dma_start3A_3 : memref<128x16xf32, #tpu.memory_space<vmem>>) offsets(%dma_start3A_6 : memref<128xi32, #tpu.memory_space<vmem>>) semaphore(%arg16 : memref<!tpu.dma_semaphore, #tpu.memory_space<semaphore_mem>>)
    %dma_start3A_10 = arith.constant 0 : i32
    %dma_start3A_11 = arith.constant 0 : i32
    %dma_start3A_12 = arith.constant 0 : i32
    %dma_start3A_13 = tpu.memref_slice %arg12[%dma_start3A_11, %dma_start3A_12] : memref<512x16xf32, #tpu.memory_space<vmem>> -> memref<128x16xf32, #tpu.memory_space<vmem>>
    %dma_start3A_14 = arith.constant 0 : i32
    %dma_start3A_15 = tpu.memref_slice %arg10[%dma_start3A_10, %dma_start3A_14] : memref<4x128xi32, #tpu.memory_space<vmem>> -> memref<1x128xi32, #tpu.memory_space<vmem>>
    %dma_start3A_16 = tpu.memref_squeeze %dma_start3A_15 : memref<1x128xi32, #tpu.memory_space<vmem>> -> memref<128xi32, #tpu.memory_space<vmem>>
    %dma_start3A_17 = arith.constant 0 : i32
    %dma_start3A_18 = arith.constant 0 : i32
    %dma_start3A_19 = tpu.memref_slice %arg5[%dma_start3A_17, %dma_start3A_18] : memref<1000000x16xf32, #tpu.memory_space<hbm>> -> memref<1000000x16xf32, #tpu.memory_space<hbm>>
    tpu.enqueue_indirect_dma source(%dma_start3A_19 : memref<1000000x16xf32, #tpu.memory_space<hbm>>) target(%dma_start3A_13 : memref<128x16xf32, #tpu.memory_space<vmem>>) offsets(%dma_start3A_16 : memref<128xi32, #tpu.memory_space<vmem>>) semaphore(%arg16 : memref<!tpu.dma_semaphore, #tpu.memory_space<semaphore_mem>>)
    %dma_start3A_20 = arith.constant 1 : i32
    %dma_start3A_21 = arith.constant 128 : i32
    %dma_start3A_22 = arith.constant 0 : i32
    %dma_start3A_23 = tpu.memref_slice %arg11[%dma_start3A_21, %dma_start3A_22] : memref<512x16xf32, #tpu.memory_space<vmem>> -> memref<128x16xf32, #tpu.memory_space<vmem>>
    %dma_start3A_24 = arith.constant 0 : i32
    %dma_start3A_25 = tpu.memref_slice %arg9[%dma_start3A_20, %dma_start3A_24] : memref<4x128xi32, #tpu.memory_space<vmem>> -> memref<1x128xi32, #tpu.memory_space<vmem>>
    %dma_start3A_26 = tpu.memref_squeeze %dma_start3A_25 : memref<1x128xi32, #tpu.memory_space<vmem>> -> memref<128xi32, #tpu.memory_space<vmem>>
    %dma_start3A_27 = arith.constant 0 : i32
    %dma_start3A_28 = arith.constant 0 : i32
    %dma_start3A_29 = tpu.memref_slice %arg4[%dma_start3A_27, %dma_start3A_28] : memref<1000000x16xf32, #tpu.memory_space<hbm>> -> memref<1000000x16xf32, #tpu.memory_space<hbm>>
    tpu.enqueue_indirect_dma source(%dma_start3A_29 : memref<1000000x16xf32, #tpu.memory_space<hbm>>) target(%dma_start3A_23 : memref<128x16xf32, #tpu.memory_space<vmem>>) offsets(%dma_start3A_26 : memref<128xi32, #tpu.memory_space<vmem>>) semaphore(%arg16 : memref<!tpu.dma_semaphore, #tpu.memory_space<semaphore_mem>>)
    %dma_start3A_30 = arith.constant 1 : i32
    %dma_start3A_31 = arith.constant 128 : i32
    %dma_start3A_32 = arith.constant 0 : i32
    %dma_start3A_33 = tpu.memref_slice %arg12[%dma_start3A_31, %dma_start3A_32] : memref<512x16xf32, #tpu.memory_space<vmem>> -> memref<128x16xf32, #tpu.memory_space<vmem>>
    %dma_start3A_34 = arith.constant 0 : i32
    %dma_start3A_35 = tpu.memref_slice %arg10[%dma_start3A_30, %dma_start3A_34] : memref<4x128xi32, #tpu.memory_space<vmem>> -> memref<1x128xi32, #tpu.memory_space<vmem>>
    %dma_start3A_36 = tpu.memref_squeeze %dma_start3A_35 : memref<1x128xi32, #tpu.memory_space<vmem>> -> memref<128xi32, #tpu.memory_space<vmem>>
    %dma_start3A_37 = arith.constant 0 : i32
    %dma_start3A_38 = arith.constant 0 : i32
    %dma_start3A_39 = tpu.memref_slice %arg5[%dma_start3A_37, %dma_start3A_38] : memref<1000000x16xf32, #tpu.memory_space<hbm>> -> memref<1000000x16xf32, #tpu.memory_space<hbm>>
    tpu.enqueue_indirect_dma source(%dma_start3A_39 : memref<1000000x16xf32, #tpu.memory_space<hbm>>) target(%dma_start3A_33 : memref<128x16xf32, #tpu.memory_space<vmem>>) offsets(%dma_start3A_36 : memref<128xi32, #tpu.memory_space<vmem>>) semaphore(%arg16 : memref<!tpu.dma_semaphore, #tpu.memory_space<semaphore_mem>>)
    %dma_start3A_40 = arith.constant 2 : i32
    %dma_start3A_41 = arith.constant 256 : i32
    %dma_start3A_42 = arith.constant 0 : i32
    %dma_start3A_43 = tpu.memref_slice %arg11[%dma_start3A_41, %dma_start3A_42] : memref<512x16xf32, #tpu.memory_space<vmem>> -> memref<128x16xf32, #tpu.memory_space<vmem>>
    %dma_start3A_44 = arith.constant 0 : i32
    %dma_start3A_45 = tpu.memref_slice %arg9[%dma_start3A_40, %dma_start3A_44] : memref<4x128xi32, #tpu.memory_space<vmem>> -> memref<1x128xi32, #tpu.memory_space<vmem>>
    %dma_start3A_46 = tpu.memref_squeeze %dma_start3A_45 : memref<1x128xi32, #tpu.memory_space<vmem>> -> memref<128xi32, #tpu.memory_space<vmem>>
    %dma_start3A_47 = arith.constant 0 : i32
    %dma_start3A_48 = arith.constant 0 : i32
    %dma_start3A_49 = tpu.memref_slice %arg4[%dma_start3A_47, %dma_start3A_48] : memref<1000000x16xf32, #tpu.memory_space<hbm>> -> memref<1000000x16xf32, #tpu.memory_space<hbm>>
    tpu.enqueue_indirect_dma source(%dma_start3A_49 : memref<1000000x16xf32, #tpu.memory_space<hbm>>) target(%dma_start3A_43 : memref<128x16xf32, #tpu.memory_space<vmem>>) offsets(%dma_start3A_46 : memref<128xi32, #tpu.memory_space<vmem>>) semaphore(%arg16 : memref<!tpu.dma_semaphore, #tpu.memory_space<semaphore_mem>>)
    %dma_start3A_50 = arith.constant 2 : i32
    %dma_start3A_51 = arith.constant 256 : i32
    %dma_start3A_52 = arith.constant 0 : i32
    %dma_start3A_53 = tpu.memref_slice %arg12[%dma_start3A_51, %dma_start3A_52] : memref<512x16xf32, #tpu.memory_space<vmem>> -> memref<128x16xf32, #tpu.memory_space<vmem>>
    %dma_start3A_54 = arith.constant 0 : i32
    %dma_start3A_55 = tpu.memref_slice %arg10[%dma_start3A_50, %dma_start3A_54] : memref<4x128xi32, #tpu.memory_space<vmem>> -> memref<1x128xi32, #tpu.memory_space<vmem>>
    %dma_start3A_56 = tpu.memref_squeeze %dma_start3A_55 : memref<1x128xi32, #tpu.memory_space<vmem>> -> memref<128xi32, #tpu.memory_space<vmem>>
    %dma_start3A_57 = arith.constant 0 : i32
    %dma_start3A_58 = arith.constant 0 : i32
    %dma_start3A_59 = tpu.memref_slice %arg5[%dma_start3A_57, %dma_start3A_58] : memref<1000000x16xf32, #tpu.memory_space<hbm>> -> memref<1000000x16xf32, #tpu.memory_space<hbm>>
    tpu.enqueue_indirect_dma source(%dma_start3A_59 : memref<1000000x16xf32, #tpu.memory_space<hbm>>) target(%dma_start3A_53 : memref<128x16xf32, #tpu.memory_space<vmem>>) offsets(%dma_start3A_56 : memref<128xi32, #tpu.memory_space<vmem>>) semaphore(%arg16 : memref<!tpu.dma_semaphore, #tpu.memory_space<semaphore_mem>>)
    %dma_start3A_60 = arith.constant 3 : i32
    %dma_start3A_61 = arith.constant 384 : i32
    %dma_start3A_62 = arith.constant 0 : i32
    %dma_start3A_63 = tpu.memref_slice %arg11[%dma_start3A_61, %dma_start3A_62] : memref<512x16xf32, #tpu.memory_space<vmem>> -> memref<128x16xf32, #tpu.memory_space<vmem>>
    %dma_start3A_64 = arith.constant 0 : i32
    %dma_start3A_65 = tpu.memref_slice %arg9[%dma_start3A_60, %dma_start3A_64] : memref<4x128xi32, #tpu.memory_space<vmem>> -> memref<1x128xi32, #tpu.memory_space<vmem>>
    %dma_start3A_66 = tpu.memref_squeeze %dma_start3A_65 : memref<1x128xi32, #tpu.memory_space<vmem>> -> memref<128xi32, #tpu.memory_space<vmem>>
    %dma_start3A_67 = arith.constant 0 : i32
    %dma_start3A_68 = arith.constant 0 : i32
    %dma_start3A_69 = tpu.memref_slice %arg4[%dma_start3A_67, %dma_start3A_68] : memref<1000000x16xf32, #tpu.memory_space<hbm>> -> memref<1000000x16xf32, #tpu.memory_space<hbm>>
    tpu.enqueue_indirect_dma source(%dma_start3A_69 : memref<1000000x16xf32, #tpu.memory_space<hbm>>) target(%dma_start3A_63 : memref<128x16xf32, #tpu.memory_space<vmem>>) offsets(%dma_start3A_66 : memref<128xi32, #tpu.memory_space<vmem>>) semaphore(%arg16 : memref<!tpu.dma_semaphore, #tpu.memory_space<semaphore_mem>>)
    %dma_start3A_70 = arith.constant 3 : i32
    %dma_start3A_71 = arith.constant 384 : i32
    %dma_start3A_72 = arith.constant 0 : i32
    %dma_start3A_73 = tpu.memref_slice %arg12[%dma_start3A_71, %dma_start3A_72] : memref<512x16xf32, #tpu.memory_space<vmem>> -> memref<128x16xf32, #tpu.memory_space<vmem>>
    %dma_start3A_74 = arith.constant 0 : i32
    %dma_start3A_75 = tpu.memref_slice %arg10[%dma_start3A_70, %dma_start3A_74] : memref<4x128xi32, #tpu.memory_space<vmem>> -> memref<1x128xi32, #tpu.memory_space<vmem>>
    %dma_start3A_76 = tpu.memref_squeeze %dma_start3A_75 : memref<1x128xi32, #tpu.memory_space<vmem>> -> memref<128xi32, #tpu.memory_space<vmem>>
    %dma_start3A_77 = arith.constant 0 : i32
    %dma_start3A_78 = arith.constant 0 : i32
    %dma_start3A_79 = tpu.memref_slice %arg5[%dma_start3A_77, %dma_start3A_78] : memref<1000000x16xf32, #tpu.memory_space<hbm>> -> memref<1000000x16xf32, #tpu.memory_space<hbm>>
    tpu.enqueue_indirect_dma source(%dma_start3A_79 : memref<1000000x16xf32, #tpu.memory_space<hbm>>) target(%dma_start3A_73 : memref<128x16xf32, #tpu.memory_space<vmem>>) offsets(%dma_start3A_76 : memref<128xi32, #tpu.memory_space<vmem>>) semaphore(%arg16 : memref<!tpu.dma_semaphore, #tpu.memory_space<semaphore_mem>>)
    %dma_wait3A = arith.constant 0 : i32
    %dma_wait3A_80 = arith.constant 0 : i32
    %dma_wait3A_81 = arith.constant 0 : i32
    %dma_wait3A_82 = tpu.memref_slice %arg11[%dma_wait3A_80, %dma_wait3A_81] : memref<512x16xf32, #tpu.memory_space<vmem>> -> memref<128x16xf32, #tpu.memory_space<vmem>>
    %dma_wait3A_83 = arith.constant 0 : i32
    %dma_wait3A_84 = tpu.memref_slice %arg9[%dma_wait3A, %dma_wait3A_83] : memref<4x128xi32, #tpu.memory_space<vmem>> -> memref<1x128xi32, #tpu.memory_space<vmem>>
    %dma_wait3A_85 = tpu.memref_squeeze %dma_wait3A_84 : memref<1x128xi32, #tpu.memory_space<vmem>> -> memref<128xi32, #tpu.memory_space<vmem>>
    %dma_wait3A_86 = arith.constant 0 : i32
    %dma_wait3A_87 = arith.constant 0 : i32
    %dma_wait3A_88 = tpu.memref_slice %arg4[%dma_wait3A_86, %dma_wait3A_87] : memref<1000000x16xf32, #tpu.memory_space<hbm>> -> memref<1000000x16xf32, #tpu.memory_space<hbm>>
    tpu.wait_indirect_dma semaphore(%arg16 : memref<!tpu.dma_semaphore, #tpu.memory_space<semaphore_mem>>) src(%dma_wait3A_88 : memref<1000000x16xf32, #tpu.memory_space<hbm>>) dst(%dma_wait3A_82 : memref<128x16xf32, #tpu.memory_space<vmem>>)
    %dma_wait3A_89 = arith.constant 0 : i32
    %dma_wait3A_90 = arith.constant 0 : i32
    %dma_wait3A_91 = arith.constant 0 : i32
    %dma_wait3A_92 = tpu.memref_slice %arg12[%dma_wait3A_90, %dma_wait3A_91] : memref<512x16xf32, #tpu.memory_space<vmem>> -> memref<128x16xf32, #tpu.memory_space<vmem>>
    %dma_wait3A_93 = arith.constant 0 : i32
    %dma_wait3A_94 = tpu.memref_slice %arg10[%dma_wait3A_89, %dma_wait3A_93] : memref<4x128xi32, #tpu.memory_space<vmem>> -> memref<1x128xi32, #tpu.memory_space<vmem>>
    %dma_wait3A_95 = tpu.memref_squeeze %dma_wait3A_94 : memref<1x128xi32, #tpu.memory_space<vmem>> -> memref<128xi32, #tpu.memory_space<vmem>>
    %dma_wait3A_96 = arith.constant 0 : i32
    %dma_wait3A_97 = arith.constant 0 : i32
    %dma_wait3A_98 = tpu.memref_slice %arg5[%dma_wait3A_96, %dma_wait3A_97] : memref<1000000x16xf32, #tpu.memory_space<hbm>> -> memref<1000000x16xf32, #tpu.memory_space<hbm>>
    tpu.wait_indirect_dma semaphore(%arg16 : memref<!tpu.dma_semaphore, #tpu.memory_space<semaphore_mem>>) src(%dma_wait3A_98 : memref<1000000x16xf32, #tpu.memory_space<hbm>>) dst(%dma_wait3A_92 : memref<128x16xf32, #tpu.memory_space<vmem>>)
    %dma_wait3A_99 = arith.constant 1 : i32
    %dma_wait3A_100 = arith.constant 128 : i32
    %dma_wait3A_101 = arith.constant 0 : i32
    %dma_wait3A_102 = tpu.memref_slice %arg11[%dma_wait3A_100, %dma_wait3A_101] : memref<512x16xf32, #tpu.memory_space<vmem>> -> memref<128x16xf32, #tpu.memory_space<vmem>>
    %dma_wait3A_103 = arith.constant 0 : i32
    %dma_wait3A_104 = tpu.memref_slice %arg9[%dma_wait3A_99, %dma_wait3A_103] : memref<4x128xi32, #tpu.memory_space<vmem>> -> memref<1x128xi32, #tpu.memory_space<vmem>>
    %dma_wait3A_105 = tpu.memref_squeeze %dma_wait3A_104 : memref<1x128xi32, #tpu.memory_space<vmem>> -> memref<128xi32, #tpu.memory_space<vmem>>
    %dma_wait3A_106 = arith.constant 0 : i32
    %dma_wait3A_107 = arith.constant 0 : i32
    %dma_wait3A_108 = tpu.memref_slice %arg4[%dma_wait3A_106, %dma_wait3A_107] : memref<1000000x16xf32, #tpu.memory_space<hbm>> -> memref<1000000x16xf32, #tpu.memory_space<hbm>>
    tpu.wait_indirect_dma semaphore(%arg16 : memref<!tpu.dma_semaphore, #tpu.memory_space<semaphore_mem>>) src(%dma_wait3A_108 : memref<1000000x16xf32, #tpu.memory_space<hbm>>) dst(%dma_wait3A_102 : memref<128x16xf32, #tpu.memory_space<vmem>>)
    %dma_wait3A_109 = arith.constant 1 : i32
    %dma_wait3A_110 = arith.constant 128 : i32
    %dma_wait3A_111 = arith.constant 0 : i32
    %dma_wait3A_112 = tpu.memref_slice %arg12[%dma_wait3A_110, %dma_wait3A_111] : memref<512x16xf32, #tpu.memory_space<vmem>> -> memref<128x16xf32, #tpu.memory_space<vmem>>
    %dma_wait3A_113 = arith.constant 0 : i32
    %dma_wait3A_114 = tpu.memref_slice %arg10[%dma_wait3A_109, %dma_wait3A_113] : memref<4x128xi32, #tpu.memory_space<vmem>> -> memref<1x128xi32, #tpu.memory_space<vmem>>
    %dma_wait3A_115 = tpu.memref_squeeze %dma_wait3A_114 : memref<1x128xi32, #tpu.memory_space<vmem>> -> memref<128xi32, #tpu.memory_space<vmem>>
    %dma_wait3A_116 = arith.constant 0 : i32
    %dma_wait3A_117 = arith.constant 0 : i32
    %dma_wait3A_118 = tpu.memref_slice %arg5[%dma_wait3A_116, %dma_wait3A_117] : memref<1000000x16xf32, #tpu.memory_space<hbm>> -> memref<1000000x16xf32, #tpu.memory_space<hbm>>
    tpu.wait_indirect_dma semaphore(%arg16 : memref<!tpu.dma_semaphore, #tpu.memory_space<semaphore_mem>>) src(%dma_wait3A_118 : memref<1000000x16xf32, #tpu.memory_space<hbm>>) dst(%dma_wait3A_112 : memref<128x16xf32, #tpu.memory_space<vmem>>)
    %dma_wait3A_119 = arith.constant 2 : i32
    %dma_wait3A_120 = arith.constant 256 : i32
    %dma_wait3A_121 = arith.constant 0 : i32
    %dma_wait3A_122 = tpu.memref_slice %arg11[%dma_wait3A_120, %dma_wait3A_121] : memref<512x16xf32, #tpu.memory_space<vmem>> -> memref<128x16xf32, #tpu.memory_space<vmem>>
    %dma_wait3A_123 = arith.constant 0 : i32
    %dma_wait3A_124 = tpu.memref_slice %arg9[%dma_wait3A_119, %dma_wait3A_123] : memref<4x128xi32, #tpu.memory_space<vmem>> -> memref<1x128xi32, #tpu.memory_space<vmem>>
    %dma_wait3A_125 = tpu.memref_squeeze %dma_wait3A_124 : memref<1x128xi32, #tpu.memory_space<vmem>> -> memref<128xi32, #tpu.memory_space<vmem>>
    %dma_wait3A_126 = arith.constant 0 : i32
    %dma_wait3A_127 = arith.constant 0 : i32
    %dma_wait3A_128 = tpu.memref_slice %arg4[%dma_wait3A_126, %dma_wait3A_127] : memref<1000000x16xf32, #tpu.memory_space<hbm>> -> memref<1000000x16xf32, #tpu.memory_space<hbm>>
    tpu.wait_indirect_dma semaphore(%arg16 : memref<!tpu.dma_semaphore, #tpu.memory_space<semaphore_mem>>) src(%dma_wait3A_128 : memref<1000000x16xf32, #tpu.memory_space<hbm>>) dst(%dma_wait3A_122 : memref<128x16xf32, #tpu.memory_space<vmem>>)
    %dma_wait3A_129 = arith.constant 2 : i32
    %dma_wait3A_130 = arith.constant 256 : i32
    %dma_wait3A_131 = arith.constant 0 : i32
    %dma_wait3A_132 = tpu.memref_slice %arg12[%dma_wait3A_130, %dma_wait3A_131] : memref<512x16xf32, #tpu.memory_space<vmem>> -> memref<128x16xf32, #tpu.memory_space<vmem>>
    %dma_wait3A_133 = arith.constant 0 : i32
    %dma_wait3A_134 = tpu.memref_slice %arg10[%dma_wait3A_129, %dma_wait3A_133] : memref<4x128xi32, #tpu.memory_space<vmem>> -> memref<1x128xi32, #tpu.memory_space<vmem>>
    %dma_wait3A_135 = tpu.memref_squeeze %dma_wait3A_134 : memref<1x128xi32, #tpu.memory_space<vmem>> -> memref<128xi32, #tpu.memory_space<vmem>>
    %dma_wait3A_136 = arith.constant 0 : i32
    %dma_wait3A_137 = arith.constant 0 : i32
    %dma_wait3A_138 = tpu.memref_slice %arg5[%dma_wait3A_136, %dma_wait3A_137] : memref<1000000x16xf32, #tpu.memory_space<hbm>> -> memref<1000000x16xf32, #tpu.memory_space<hbm>>
    tpu.wait_indirect_dma semaphore(%arg16 : memref<!tpu.dma_semaphore, #tpu.memory_space<semaphore_mem>>) src(%dma_wait3A_138 : memref<1000000x16xf32, #tpu.memory_space<hbm>>) dst(%dma_wait3A_132 : memref<128x16xf32, #tpu.memory_space<vmem>>)
    %dma_wait3A_139 = arith.constant 3 : i32
    %dma_wait3A_140 = arith.constant 384 : i32
    %dma_wait3A_141 = arith.constant 0 : i32
    %dma_wait3A_142 = tpu.memref_slice %arg11[%dma_wait3A_140, %dma_wait3A_141] : memref<512x16xf32, #tpu.memory_space<vmem>> -> memref<128x16xf32, #tpu.memory_space<vmem>>
    %dma_wait3A_143 = arith.constant 0 : i32
    %dma_wait3A_144 = tpu.memref_slice %arg9[%dma_wait3A_139, %dma_wait3A_143] : memref<4x128xi32, #tpu.memory_space<vmem>> -> memref<1x128xi32, #tpu.memory_space<vmem>>
    %dma_wait3A_145 = tpu.memref_squeeze %dma_wait3A_144 : memref<1x128xi32, #tpu.memory_space<vmem>> -> memref<128xi32, #tpu.memory_space<vmem>>
    %dma_wait3A_146 = arith.constant 0 : i32
    %dma_wait3A_147 = arith.constant 0 : i32
    %dma_wait3A_148 = tpu.memref_slice %arg4[%dma_wait3A_146, %dma_wait3A_147] : memref<1000000x16xf32, #tpu.memory_space<hbm>> -> memref<1000000x16xf32, #tpu.memory_space<hbm>>
    tpu.wait_indirect_dma semaphore(%arg16 : memref<!tpu.dma_semaphore, #tpu.memory_space<semaphore_mem>>) src(%dma_wait3A_148 : memref<1000000x16xf32, #tpu.memory_space<hbm>>) dst(%dma_wait3A_142 : memref<128x16xf32, #tpu.memory_space<vmem>>)
    %dma_wait3A_149 = arith.constant 3 : i32
    %dma_wait3A_150 = arith.constant 384 : i32
    %dma_wait3A_151 = arith.constant 0 : i32
    %dma_wait3A_152 = tpu.memref_slice %arg12[%dma_wait3A_150, %dma_wait3A_151] : memref<512x16xf32, #tpu.memory_space<vmem>> -> memref<128x16xf32, #tpu.memory_space<vmem>>
    %dma_wait3A_153 = arith.constant 0 : i32
    %dma_wait3A_154 = tpu.memref_slice %arg10[%dma_wait3A_149, %dma_wait3A_153] : memref<4x128xi32, #tpu.memory_space<vmem>> -> memref<1x128xi32, #tpu.memory_space<vmem>>
    %dma_wait3A_155 = tpu.memref_squeeze %dma_wait3A_154 : memref<1x128xi32, #tpu.memory_space<vmem>> -> memref<128xi32, #tpu.memory_space<vmem>>
    %dma_wait3A_156 = arith.constant 0 : i32
    %dma_wait3A_157 = arith.constant 0 : i32
    %dma_wait3A_158 = tpu.memref_slice %arg5[%dma_wait3A_156, %dma_wait3A_157] : memref<1000000x16xf32, #tpu.memory_space<hbm>> -> memref<1000000x16xf32, #tpu.memory_space<hbm>>
    tpu.wait_indirect_dma semaphore(%arg16 : memref<!tpu.dma_semaphore, #tpu.memory_space<semaphore_mem>>) src(%dma_wait3A_158 : memref<1000000x16xf32, #tpu.memory_space<hbm>>) dst(%dma_wait3A_152 : memref<128x16xf32, #tpu.memory_space<vmem>>)
    %iota3A = tpu.iota {dimensions = array<i32: 0>} : vector<16xi32>
    %add3A_159 = arith.constant 0 : i32
    %add3A_160 = vector.broadcast %add3A_159 : i32 to vector<16xi32>
    %add3A_161 = arith.addi %iota3A, %add3A_160 : vector<16xi32>
    %and3A = arith.constant 15 : i32
    %and3A_162 = vector.broadcast %and3A : i32 to vector<16xi32>
    %and3A_163 = arith.andi %add3A_161, %and3A_162 : vector<16xi32>
    %add3A_164 = arith.constant 1 : i32
    %add3A_165 = vector.broadcast %add3A_164 : i32 to vector<16xi32>
    %add3A_166 = arith.addi %iota3A, %add3A_165 : vector<16xi32>
    %and3A_167 = arith.constant 15 : i32
    %and3A_168 = vector.broadcast %and3A_167 : i32 to vector<16xi32>
    %and3A_169 = arith.andi %add3A_166, %and3A_168 : vector<16xi32>
    %add3A_170 = arith.constant 2 : i32
    %add3A_171 = vector.broadcast %add3A_170 : i32 to vector<16xi32>
    %add3A_172 = arith.addi %iota3A, %add3A_171 : vector<16xi32>
    %and3A_173 = arith.constant 15 : i32
    %and3A_174 = vector.broadcast %and3A_173 : i32 to vector<16xi32>
    %and3A_175 = arith.andi %add3A_172, %and3A_174 : vector<16xi32>
    %add3A_176 = arith.constant 3 : i32
    %add3A_177 = vector.broadcast %add3A_176 : i32 to vector<16xi32>
    %add3A_178 = arith.addi %iota3A, %add3A_177 : vector<16xi32>
    %and3A_179 = arith.constant 15 : i32
    %and3A_180 = vector.broadcast %and3A_179 : i32 to vector<16xi32>
    %and3A_181 = arith.andi %add3A_178, %and3A_180 : vector<16xi32>
    %add3A_182 = arith.constant 4 : i32
    %add3A_183 = vector.broadcast %add3A_182 : i32 to vector<16xi32>
    %add3A_184 = arith.addi %iota3A, %add3A_183 : vector<16xi32>
    %and3A_185 = arith.constant 15 : i32
    %and3A_186 = vector.broadcast %and3A_185 : i32 to vector<16xi32>
    %and3A_187 = arith.andi %add3A_184, %and3A_186 : vector<16xi32>
    %add3A_188 = arith.constant 5 : i32
    %add3A_189 = vector.broadcast %add3A_188 : i32 to vector<16xi32>
    %add3A_190 = arith.addi %iota3A, %add3A_189 : vector<16xi32>
    %and3A_191 = arith.constant 15 : i32
    %and3A_192 = vector.broadcast %and3A_191 : i32 to vector<16xi32>
    %and3A_193 = arith.andi %add3A_190, %and3A_192 : vector<16xi32>
    %add3A_194 = arith.constant 6 : i32
    %add3A_195 = vector.broadcast %add3A_194 : i32 to vector<16xi32>
    %add3A_196 = arith.addi %iota3A, %add3A_195 : vector<16xi32>
    %and3A_197 = arith.constant 15 : i32
    %and3A_198 = vector.broadcast %and3A_197 : i32 to vector<16xi32>
    %and3A_199 = arith.andi %add3A_196, %and3A_198 : vector<16xi32>
    %add3A_200 = arith.constant 7 : i32
    %add3A_201 = vector.broadcast %add3A_200 : i32 to vector<16xi32>
    %add3A_202 = arith.addi %iota3A, %add3A_201 : vector<16xi32>
    %and3A_203 = arith.constant 15 : i32
    %and3A_204 = vector.broadcast %and3A_203 : i32 to vector<16xi32>
    %and3A_205 = arith.andi %add3A_202, %and3A_204 : vector<16xi32>
    %add3A_206 = arith.constant 8 : i32
    %add3A_207 = vector.broadcast %add3A_206 : i32 to vector<16xi32>
    %add3A_208 = arith.addi %iota3A, %add3A_207 : vector<16xi32>
    %and3A_209 = arith.constant 15 : i32
    %and3A_210 = vector.broadcast %and3A_209 : i32 to vector<16xi32>
    %and3A_211 = arith.andi %add3A_208, %and3A_210 : vector<16xi32>
    %add3A_212 = arith.constant 9 : i32
    %add3A_213 = vector.broadcast %add3A_212 : i32 to vector<16xi32>
    %add3A_214 = arith.addi %iota3A, %add3A_213 : vector<16xi32>
    %and3A_215 = arith.constant 15 : i32
    %and3A_216 = vector.broadcast %and3A_215 : i32 to vector<16xi32>
    %and3A_217 = arith.andi %add3A_214, %and3A_216 : vector<16xi32>
    %add3A_218 = arith.constant 10 : i32
    %add3A_219 = vector.broadcast %add3A_218 : i32 to vector<16xi32>
    %add3A_220 = arith.addi %iota3A, %add3A_219 : vector<16xi32>
    %and3A_221 = arith.constant 15 : i32
    %and3A_222 = vector.broadcast %and3A_221 : i32 to vector<16xi32>
    %and3A_223 = arith.andi %add3A_220, %and3A_222 : vector<16xi32>
    %add3A_224 = arith.constant 11 : i32
    %add3A_225 = vector.broadcast %add3A_224 : i32 to vector<16xi32>
    %add3A_226 = arith.addi %iota3A, %add3A_225 : vector<16xi32>
    %and3A_227 = arith.constant 15 : i32
    %and3A_228 = vector.broadcast %and3A_227 : i32 to vector<16xi32>
    %and3A_229 = arith.andi %add3A_226, %and3A_228 : vector<16xi32>
    %add3A_230 = arith.constant 12 : i32
    %add3A_231 = vector.broadcast %add3A_230 : i32 to vector<16xi32>
    %add3A_232 = arith.addi %iota3A, %add3A_231 : vector<16xi32>
    %and3A_233 = arith.constant 15 : i32
    %and3A_234 = vector.broadcast %and3A_233 : i32 to vector<16xi32>
    %and3A_235 = arith.andi %add3A_232, %and3A_234 : vector<16xi32>
    %add3A_236 = arith.constant 13 : i32
    %add3A_237 = vector.broadcast %add3A_236 : i32 to vector<16xi32>
    %add3A_238 = arith.addi %iota3A, %add3A_237 : vector<16xi32>
    %and3A_239 = arith.constant 15 : i32
    %and3A_240 = vector.broadcast %and3A_239 : i32 to vector<16xi32>
    %and3A_241 = arith.andi %add3A_238, %and3A_240 : vector<16xi32>
    %add3A_242 = arith.constant 14 : i32
    %add3A_243 = vector.broadcast %add3A_242 : i32 to vector<16xi32>
    %add3A_244 = arith.addi %iota3A, %add3A_243 : vector<16xi32>
    %and3A_245 = arith.constant 15 : i32
    %and3A_246 = vector.broadcast %and3A_245 : i32 to vector<16xi32>
    %and3A_247 = arith.andi %add3A_244, %and3A_246 : vector<16xi32>
    %add3A_248 = arith.constant 15 : i32
    %add3A_249 = vector.broadcast %add3A_248 : i32 to vector<16xi32>
    %add3A_250 = arith.addi %iota3A, %add3A_249 : vector<16xi32>
    %and3A_251 = arith.constant 15 : i32
    %and3A_252 = vector.broadcast %and3A_251 : i32 to vector<16xi32>
    %and3A_253 = arith.andi %add3A_250, %and3A_252 : vector<16xi32>
    %get3A = arith.constant 0 : i32
    %get3A_254 = arith.index_cast %get3A : i32 to index
    %get3A_255 = arith.constant 0 : index
    %get3A_256 = tpu.vector_load %arg13[%get3A_254, %get3A_255] {strides = array<i32>} : memref<16x16xf32, #tpu.memory_space<vmem>>, vector<16xf32>,
    %get3A_257 = arith.constant 1 : i32
    %get3A_258 = arith.index_cast %get3A_257 : i32 to index
    %get3A_259 = arith.constant 0 : index
    %get3A_260 = tpu.vector_load %arg13[%get3A_258, %get3A_259] {strides = array<i32>} : memref<16x16xf32, #tpu.memory_space<vmem>>, vector<16xf32>,
    %get3A_261 = arith.constant 2 : i32
    %get3A_262 = arith.index_cast %get3A_261 : i32 to index
    %get3A_263 = arith.constant 0 : index
    %get3A_264 = tpu.vector_load %arg13[%get3A_262, %get3A_263] {strides = array<i32>} : memref<16x16xf32, #tpu.memory_space<vmem>>, vector<16xf32>,
    %get3A_265 = arith.constant 3 : i32
    %get3A_266 = arith.index_cast %get3A_265 : i32 to index
    %get3A_267 = arith.constant 0 : index
    %get3A_268 = tpu.vector_load %arg13[%get3A_266, %get3A_267] {strides = array<i32>} : memref<16x16xf32, #tpu.memory_space<vmem>>, vector<16xf32>,
    %get3A_269 = arith.constant 4 : i32
    %get3A_270 = arith.index_cast %get3A_269 : i32 to index
    %get3A_271 = arith.constant 0 : index
    %get3A_272 = tpu.vector_load %arg13[%get3A_270, %get3A_271] {strides = array<i32>} : memref<16x16xf32, #tpu.memory_space<vmem>>, vector<16xf32>,
    %get3A_273 = arith.constant 5 : i32
    %get3A_274 = arith.index_cast %get3A_273 : i32 to index
    %get3A_275 = arith.constant 0 : index
    %get3A_276 = tpu.vector_load %arg13[%get3A_274, %get3A_275] {strides = array<i32>} : memref<16x16xf32, #tpu.memory_space<vmem>>, vector<16xf32>,
    %get3A_277 = arith.constant 6 : i32
    %get3A_278 = arith.index_cast %get3A_277 : i32 to index
    %get3A_279 = arith.constant 0 : index
    %get3A_280 = tpu.vector_load %arg13[%get3A_278, %get3A_279] {strides = array<i32>} : memref<16x16xf32, #tpu.memory_space<vmem>>, vector<16xf32>,
    %get3A_281 = arith.constant 7 : i32
    %get3A_282 = arith.index_cast %get3A_281 : i32 to index
    %get3A_283 = arith.constant 0 : index
    %get3A_284 = tpu.vector_load %arg13[%get3A_282, %get3A_283] {strides = array<i32>} : memref<16x16xf32, #tpu.memory_space<vmem>>, vector<16xf32>,
    %get3A_285 = arith.constant 8 : i32
    %get3A_286 = arith.index_cast %get3A_285 : i32 to index
    %get3A_287 = arith.constant 0 : index
    %get3A_288 = tpu.vector_load %arg13[%get3A_286, %get3A_287] {strides = array<i32>} : memref<16x16xf32, #tpu.memory_space<vmem>>, vector<16xf32>,
    %get3A_289 = arith.constant 9 : i32
    %get3A_290 = arith.index_cast %get3A_289 : i32 to index
    %get3A_291 = arith.constant 0 : index
    %get3A_292 = tpu.vector_load %arg13[%get3A_290, %get3A_291] {strides = array<i32>} : memref<16x16xf32, #tpu.memory_space<vmem>>, vector<16xf32>,
    %get3A_293 = arith.constant 10 : i32
    %get3A_294 = arith.index_cast %get3A_293 : i32 to index
    %get3A_295 = arith.constant 0 : index
    %get3A_296 = tpu.vector_load %arg13[%get3A_294, %get3A_295] {strides = array<i32>} : memref<16x16xf32, #tpu.memory_space<vmem>>, vector<16xf32>,
    %get3A_297 = arith.constant 11 : i32
    %get3A_298 = arith.index_cast %get3A_297 : i32 to index
    %get3A_299 = arith.constant 0 : index
    %get3A_300 = tpu.vector_load %arg13[%get3A_298, %get3A_299] {strides = array<i32>} : memref<16x16xf32, #tpu.memory_space<vmem>>, vector<16xf32>,
    %get3A_301 = arith.constant 12 : i32
    %get3A_302 = arith.index_cast %get3A_301 : i32 to index
    %get3A_303 = arith.constant 0 : index
    %get3A_304 = tpu.vector_load %arg13[%get3A_302, %get3A_303] {strides = array<i32>} : memref<16x16xf32, #tpu.memory_space<vmem>>, vector<16xf32>,
    %get3A_305 = arith.constant 13 : i32
    %get3A_306 = arith.index_cast %get3A_305 : i32 to index
    %get3A_307 = arith.constant 0 : index
    %get3A_308 = tpu.vector_load %arg13[%get3A_306, %get3A_307] {strides = array<i32>} : memref<16x16xf32, #tpu.memory_space<vmem>>, vector<16xf32>,
    %get3A_309 = arith.constant 14 : i32
    %get3A_310 = arith.index_cast %get3A_309 : i32 to index
    %get3A_311 = arith.constant 0 : index
    %get3A_312 = tpu.vector_load %arg13[%get3A_310, %get3A_311] {strides = array<i32>} : memref<16x16xf32, #tpu.memory_space<vmem>>, vector<16xf32>,
    %get3A_313 = arith.constant 15 : i32
    %get3A_314 = arith.index_cast %get3A_313 : i32 to index
    %get3A_315 = arith.constant 0 : index
    %get3A_316 = tpu.vector_load %arg13[%get3A_314, %get3A_315] {strides = array<i32>} : memref<16x16xf32, #tpu.memory_space<vmem>>, vector<16xf32>,
    %get3A_317 = arith.constant 0 : index
    %get3A_318 = tpu.vector_load %arg14[%get3A_317] {strides = array<i32>} : memref<16xf32, #tpu.memory_space<vmem>>, vector<16xf32>,
    %scan3A = arith.constant 0 : i32
    %scan3A_319 = arith.constant 0 : i32
    %scan3A_320 = arith.constant 32 : i32
    %scan3A_321 = arith.addi %scan3A_319, %scan3A_320 : i32
    %scan3A_322 = arith.constant 1 : i32
    scf.for %scan3A_326 = %scan3A_319 to %scan3A_321 step %scan3A_322  : i32 {
      %mul3A_327 = arith.constant 16 : i32
      %mul3A_328 = arith.muli %scan3A_326, %mul3A_327 : i32
      %add3A_329 = vector.broadcast %mul3A_328 : i32 to vector<16xi32>
      %add3A_330 = arith.addi %add3A_329, %iota3A : vector<16xi32>
      %broadcast_in_dim3A = arith.constant 0.000000e+00 : f32
      %broadcast_in_dim3A_331 = vector.broadcast %broadcast_in_dim3A : f32 to vector<16xf32>
      %gather3A = tpu.vector_load_idx %arg11[%add3A_330, %and3A_163] : memref<512x16xf32, #tpu.memory_space<vmem>>[vector<16xi32>, vector<16xi32>], vector<16xf32>,
      %gather3A_332 = tpu.vector_load_idx %arg12[%add3A_330, %and3A_163] : memref<512x16xf32, #tpu.memory_space<vmem>>[vector<16xi32>, vector<16xi32>], vector<16xf32>,
      %mul3A_333 = arith.mulf %gather3A, %gather3A_332 : vector<16xf32>
      %mul3A_334 = arith.mulf %mul3A_333, %get3A_256 : vector<16xf32>
      %add3A_335 = arith.addf %broadcast_in_dim3A_331, %mul3A_334 : vector<16xf32>
      %gather3A_336 = tpu.vector_load_idx %arg11[%add3A_330, %and3A_169] : memref<512x16xf32, #tpu.memory_space<vmem>>[vector<16xi32>, vector<16xi32>], vector<16xf32>,
      %gather3A_337 = tpu.vector_load_idx %arg12[%add3A_330, %and3A_169] : memref<512x16xf32, #tpu.memory_space<vmem>>[vector<16xi32>, vector<16xi32>], vector<16xf32>,
      %mul3A_338 = arith.mulf %gather3A_336, %gather3A_337 : vector<16xf32>
      %mul3A_339 = arith.mulf %mul3A_338, %get3A_260 : vector<16xf32>
      %add3A_340 = arith.addf %add3A_335, %mul3A_339 : vector<16xf32>
      %gather3A_341 = tpu.vector_load_idx %arg11[%add3A_330, %and3A_175] : memref<512x16xf32, #tpu.memory_space<vmem>>[vector<16xi32>, vector<16xi32>], vector<16xf32>,
      %gather3A_342 = tpu.vector_load_idx %arg12[%add3A_330, %and3A_175] : memref<512x16xf32, #tpu.memory_space<vmem>>[vector<16xi32>, vector<16xi32>], vector<16xf32>,
      %mul3A_343 = arith.mulf %gather3A_341, %gather3A_342 : vector<16xf32>
      %mul3A_344 = arith.mulf %mul3A_343, %get3A_264 : vector<16xf32>
      %add3A_345 = arith.addf %add3A_340, %mul3A_344 : vector<16xf32>
      %gather3A_346 = tpu.vector_load_idx %arg11[%add3A_330, %and3A_181] : memref<512x16xf32, #tpu.memory_space<vmem>>[vector<16xi32>, vector<16xi32>], vector<16xf32>,
      %gather3A_347 = tpu.vector_load_idx %arg12[%add3A_330, %and3A_181] : memref<512x16xf32, #tpu.memory_space<vmem>>[vector<16xi32>, vector<16xi32>], vector<16xf32>,
      %mul3A_348 = arith.mulf %gather3A_346, %gather3A_347 : vector<16xf32>
      %mul3A_349 = arith.mulf %mul3A_348, %get3A_268 : vector<16xf32>
      %add3A_350 = arith.addf %add3A_345, %mul3A_349 : vector<16xf32>
      %gather3A_351 = tpu.vector_load_idx %arg11[%add3A_330, %and3A_187] : memref<512x16xf32, #tpu.memory_space<vmem>>[vector<16xi32>, vector<16xi32>], vector<16xf32>,
      %gather3A_352 = tpu.vector_load_idx %arg12[%add3A_330, %and3A_187] : memref<512x16xf32, #tpu.memory_space<vmem>>[vector<16xi32>, vector<16xi32>], vector<16xf32>,
      %mul3A_353 = arith.mulf %gather3A_351, %gather3A_352 : vector<16xf32>
      %mul3A_354 = arith.mulf %mul3A_353, %get3A_272 : vector<16xf32>
      %add3A_355 = arith.addf %add3A_350, %mul3A_354 : vector<16xf32>
      %gather3A_356 = tpu.vector_load_idx %arg11[%add3A_330, %and3A_193] : memref<512x16xf32, #tpu.memory_space<vmem>>[vector<16xi32>, vector<16xi32>], vector<16xf32>,
      %gather3A_357 = tpu.vector_load_idx %arg12[%add3A_330, %and3A_193] : memref<512x16xf32, #tpu.memory_space<vmem>>[vector<16xi32>, vector<16xi32>], vector<16xf32>,
      %mul3A_358 = arith.mulf %gather3A_356, %gather3A_357 : vector<16xf32>
      %mul3A_359 = arith.mulf %mul3A_358, %get3A_276 : vector<16xf32>
      %add3A_360 = arith.addf %add3A_355, %mul3A_359 : vector<16xf32>
      %gather3A_361 = tpu.vector_load_idx %arg11[%add3A_330, %and3A_199] : memref<512x16xf32, #tpu.memory_space<vmem>>[vector<16xi32>, vector<16xi32>], vector<16xf32>,
      %gather3A_362 = tpu.vector_load_idx %arg12[%add3A_330, %and3A_199] : memref<512x16xf32, #tpu.memory_space<vmem>>[vector<16xi32>, vector<16xi32>], vector<16xf32>,
      %mul3A_363 = arith.mulf %gather3A_361, %gather3A_362 : vector<16xf32>
      %mul3A_364 = arith.mulf %mul3A_363, %get3A_280 : vector<16xf32>
      %add3A_365 = arith.addf %add3A_360, %mul3A_364 : vector<16xf32>
      %gather3A_366 = tpu.vector_load_idx %arg11[%add3A_330, %and3A_205] : memref<512x16xf32, #tpu.memory_space<vmem>>[vector<16xi32>, vector<16xi32>], vector<16xf32>,
      %gather3A_367 = tpu.vector_load_idx %arg12[%add3A_330, %and3A_205] : memref<512x16xf32, #tpu.memory_space<vmem>>[vector<16xi32>, vector<16xi32>], vector<16xf32>,
      %mul3A_368 = arith.mulf %gather3A_366, %gather3A_367 : vector<16xf32>
      %mul3A_369 = arith.mulf %mul3A_368, %get3A_284 : vector<16xf32>
      %add3A_370 = arith.addf %add3A_365, %mul3A_369 : vector<16xf32>
      %gather3A_371 = tpu.vector_load_idx %arg11[%add3A_330, %and3A_211] : memref<512x16xf32, #tpu.memory_space<vmem>>[vector<16xi32>, vector<16xi32>], vector<16xf32>,
      %gather3A_372 = tpu.vector_load_idx %arg12[%add3A_330, %and3A_211] : memref<512x16xf32, #tpu.memory_space<vmem>>[vector<16xi32>, vector<16xi32>], vector<16xf32>,
      %mul3A_373 = arith.mulf %gather3A_371, %gather3A_372 : vector<16xf32>
      %mul3A_374 = arith.mulf %mul3A_373, %get3A_288 : vector<16xf32>
      %add3A_375 = arith.addf %add3A_370, %mul3A_374 : vector<16xf32>
      %gather3A_376 = tpu.vector_load_idx %arg11[%add3A_330, %and3A_217] : memref<512x16xf32, #tpu.memory_space<vmem>>[vector<16xi32>, vector<16xi32>], vector<16xf32>,
      %gather3A_377 = tpu.vector_load_idx %arg12[%add3A_330, %and3A_217] : memref<512x16xf32, #tpu.memory_space<vmem>>[vector<16xi32>, vector<16xi32>], vector<16xf32>,
      %mul3A_378 = arith.mulf %gather3A_376, %gather3A_377 : vector<16xf32>
      %mul3A_379 = arith.mulf %mul3A_378, %get3A_292 : vector<16xf32>
      %add3A_380 = arith.addf %add3A_375, %mul3A_379 : vector<16xf32>
      %gather3A_381 = tpu.vector_load_idx %arg11[%add3A_330, %and3A_223] : memref<512x16xf32, #tpu.memory_space<vmem>>[vector<16xi32>, vector<16xi32>], vector<16xf32>,
      %gather3A_382 = tpu.vector_load_idx %arg12[%add3A_330, %and3A_223] : memref<512x16xf32, #tpu.memory_space<vmem>>[vector<16xi32>, vector<16xi32>], vector<16xf32>,
      %mul3A_383 = arith.mulf %gather3A_381, %gather3A_382 : vector<16xf32>
      %mul3A_384 = arith.mulf %mul3A_383, %get3A_296 : vector<16xf32>
      %add3A_385 = arith.addf %add3A_380, %mul3A_384 : vector<16xf32>
      %gather3A_386 = tpu.vector_load_idx %arg11[%add3A_330, %and3A_229] : memref<512x16xf32, #tpu.memory_space<vmem>>[vector<16xi32>, vector<16xi32>], vector<16xf32>,
      %gather3A_387 = tpu.vector_load_idx %arg12[%add3A_330, %and3A_229] : memref<512x16xf32, #tpu.memory_space<vmem>>[vector<16xi32>, vector<16xi32>], vector<16xf32>,
      %mul3A_388 = arith.mulf %gather3A_386, %gather3A_387 : vector<16xf32>
      %mul3A_389 = arith.mulf %mul3A_388, %get3A_300 : vector<16xf32>
      %add3A_390 = arith.addf %add3A_385, %mul3A_389 : vector<16xf32>
      %gather3A_391 = tpu.vector_load_idx %arg11[%add3A_330, %and3A_235] : memref<512x16xf32, #tpu.memory_space<vmem>>[vector<16xi32>, vector<16xi32>], vector<16xf32>,
      %gather3A_392 = tpu.vector_load_idx %arg12[%add3A_330, %and3A_235] : memref<512x16xf32, #tpu.memory_space<vmem>>[vector<16xi32>, vector<16xi32>], vector<16xf32>,
      %mul3A_393 = arith.mulf %gather3A_391, %gather3A_392 : vector<16xf32>
      %mul3A_394 = arith.mulf %mul3A_393, %get3A_304 : vector<16xf32>
      %add3A_395 = arith.addf %add3A_390, %mul3A_394 : vector<16xf32>
      %gather3A_396 = tpu.vector_load_idx %arg11[%add3A_330, %and3A_241] : memref<512x16xf32, #tpu.memory_space<vmem>>[vector<16xi32>, vector<16xi32>], vector<16xf32>,
      %gather3A_397 = tpu.vector_load_idx %arg12[%add3A_330, %and3A_241] : memref<512x16xf32, #tpu.memory_space<vmem>>[vector<16xi32>, vector<16xi32>], vector<16xf32>,
      %mul3A_398 = arith.mulf %gather3A_396, %gather3A_397 : vector<16xf32>
      %mul3A_399 = arith.mulf %mul3A_398, %get3A_308 : vector<16xf32>
      %add3A_400 = arith.addf %add3A_395, %mul3A_399 : vector<16xf32>
      %gather3A_401 = tpu.vector_load_idx %arg11[%add3A_330, %and3A_247] : memref<512x16xf32, #tpu.memory_space<vmem>>[vector<16xi32>, vector<16xi32>], vector<16xf32>,
      %gather3A_402 = tpu.vector_load_idx %arg12[%add3A_330, %and3A_247] : memref<512x16xf32, #tpu.memory_space<vmem>>[vector<16xi32>, vector<16xi32>], vector<16xf32>,
      %mul3A_403 = arith.mulf %gather3A_401, %gather3A_402 : vector<16xf32>
      %mul3A_404 = arith.mulf %mul3A_403, %get3A_312 : vector<16xf32>
      %add3A_405 = arith.addf %add3A_400, %mul3A_404 : vector<16xf32>
      %gather3A_406 = tpu.vector_load_idx %arg11[%add3A_330, %and3A_253] : memref<512x16xf32, #tpu.memory_space<vmem>>[vector<16xi32>, vector<16xi32>], vector<16xf32>,
      %gather3A_407 = tpu.vector_load_idx %arg12[%add3A_330, %and3A_253] : memref<512x16xf32, #tpu.memory_space<vmem>>[vector<16xi32>, vector<16xi32>], vector<16xf32>,
      %mul3A_408 = arith.mulf %gather3A_406, %gather3A_407 : vector<16xf32>
      %mul3A_409 = arith.mulf %mul3A_408, %get3A_316 : vector<16xf32>
      %add3A_410 = arith.addf %add3A_405, %mul3A_409 : vector<16xf32>
      %add3A_411 = arith.addf %add3A_410, %get3A_318 : vector<16xf32>
      %neg3A = arith.constant 0.000000e+00 : f32
      %neg3A_412 = vector.broadcast %neg3A : f32 to vector<16xf32>
      %neg3A_413 = arith.subf %neg3A_412, %add3A_411 : vector<16xf32>
      %exp3A = math.exp %neg3A_413 : vector<16xf32>
      %add3A_414 = arith.constant 1.000000e+00 : f32
      %add3A_415 = vector.broadcast %add3A_414 : f32 to vector<16xf32>
      %add3A_416 = arith.addf %add3A_415, %exp3A : vector<16xf32>
      %div3A = arith.constant 1.000000e+00 : f32
      %div3A_417 = vector.broadcast %div3A : f32 to vector<16xf32>
      %div3A_418 = arith.divf %div3A_417, %add3A_416 : vector<16xf32>
      %mul3A_419 = arith.constant 16 : i32
      %mul3A_420 = arith.muli %scan3A_326, %mul3A_419 : i32
      %swap3A = arith.index_cast %mul3A_420 : i32 to index
      %swap3A_421 = tpu.vector_load %arg15[%swap3A] {strides = array<i32>} : memref<512xf32, #tpu.memory_space<vmem>>, vector<16xf32>,
      tpu.vector_store %arg15[%swap3A], %div3A_418 {strides = array<i32>} : memref<512xf32, #tpu.memory_space<vmem>>, vector<16xf32>,
    }
    %scan3A_323 = arith.constant 32 : i32
    %mul3A_324 = arith.constant 512 : i32
    %mul3A_325 = arith.muli %add3A, %mul3A_324 : i32
    "tpu.region"() ({
      %run_scoped3A = tpu.sem_alloc : memref<!tpu.dma_semaphore, #tpu.memory_space<semaphore_mem>>
      %dma_start3A_326 = tpu.memref_slice %arg8[%mul3A_325] : memref<16384xf32, #tpu.memory_space<hbm>> -> memref<512xf32, #tpu.memory_space<hbm>>
      %dma_start3A_327 = tpu.memref_slice %arg8[%mul3A_325] : memref<16384xf32, #tpu.memory_space<hbm>> -> memref<512xf32, #tpu.memory_space<hbm>>
      tpu.enqueue_dma source(%arg15 : memref<512xf32, #tpu.memory_space<vmem>>) target(%dma_start3A_327 : memref<512xf32, #tpu.memory_space<hbm>>) target_semaphore(%run_scoped3A : memref<!tpu.dma_semaphore, #tpu.memory_space<semaphore_mem>>)
      %dma_wait3A_328 = tpu.memref_slice %arg8[%mul3A_325] : memref<16384xf32, #tpu.memory_space<hbm>> -> memref<512xf32, #tpu.memory_space<hbm>>
      %dma_wait3A_329 = tpu.memref_slice %arg8[%mul3A_325] : memref<16384xf32, #tpu.memory_space<hbm>> -> memref<512xf32, #tpu.memory_space<hbm>>
      tpu.wait_dma2 semaphore(%run_scoped3A : memref<!tpu.dma_semaphore, #tpu.memory_space<semaphore_mem>>) src(%arg15 : memref<512xf32, #tpu.memory_space<vmem>>) dst(%dma_wait3A_329 : memref<512xf32, #tpu.memory_space<hbm>>)
      tpu.yield
    }) : () -> ()
    return
  }
}

</mosaic_0001>

<sc_bundles>
// kernel: _gmf.3.cloned.1.call-start
scs
__scs_entry_jumppad:
0x0: {  	(pc) =	sbr.rel $0x88, $3  }
0x1: {  	(tag) =	ssettag $0x0;
	lr =	simm.s32 $0x1  }
0x2: {  	[smem:$0x3F9B] =	sst lr;
	_ =	strace $0xD0000000  }
0x3: {  	_ = 	snop  }
0x4: {  	_ = 	snop  }
0x5: {  	_ = 	snop  }
0x6: {  	_ = 	snop  }
0x7: {  	_ = 	snop  }
__scs_overlays_trampoline_lowered:
0x8: {  	[smem:$0x3FAA] =	sst s0  }
0x9: {  	[smem:$0x3FAB] =	sst s1  }
0xa: {  	[smem:$0x3FAC] =	sst s2  }
0xb: {  	[smem:$0x3FAD] =	sst s3  }
0xc: {  	[smem:$0x3FAE] =	sst s4  }
0xd: {  	[smem:$0x3FAF] =	sst s5  }
0xe: {  	[smem:$0x3FB0] =	sst s6  }
0xf: {  	[smem:$0x3FB1] =	sst s7  }
0x10: {  	[smem:$0x3FB2] =	sst s8  }
0x11: {  	[smem:$0x3FB3] =	sst s9;
	s0 =	simm.s32 @!p0 $0x0  }
0x12: {  	s1 =	sld [smem:$0x3F99];
	s0 =	simm.s32 @p0 $0x1  }
0x13: {  	[smem:$0x3FB4] =	sst s0;
	s0 =	simm.s32 @!p1 $0x0  }
0x14: {  	s2 =	sld [smem:$0x3F98];
	s0 =	simm.s32 @p1 $0x1  }
0x15: {  	[smem:$0x3FB5] =	sst s0;
	s0 =	simm.s32 @!p2 $0x0  }
0x16: {  	s3 =	sld [smem:$0x3FDB];
	s0 =	simm.s32 @p2 $0x1  }
0x17: {  	s4 =	simm.s32 $0x1BF5;
	[smem:$0x3FB7] =	sst s0  }
0x18: {  	s0 =	sld [smem:$0x3F9A];
	_ =	swait.ge [sflag:s4], $0x0  }
0x19: {  	s7 =	sld [smem:$0x3F9B]  }
0x1a: {  	s8 =	sadd.s32 $0xFFFFE003, lr  }
0x1b: {  	s9 =	sadd.s32 $0xFFFFFEF7, lr;
	s5 =	simm.s32 $0xFFFFFFFF;
	p2 =	slt.u32 s8, $0xFFFFF086  }
0x1c: {  	p1 =	slt.u32 s9, $0xF7A;
	s5 =	simm.s32 @!p2 $0x0  }
0x1d: {  	s5 =	simm.s32 @p1 $0x1;
	p0 =	seq.s32 s7, s2  }
0x1e: {  	s7 =	smul.u32 @!p0 $0xF7A, s2;
	p2 =	seq.s32 @!p0 s5, $0x0  }
0x1f: {  	s9 =	smul.u32 $0xF7A, s1;
	s8 =	simm.s32 @!p0 $0x1BF5;
	p2 =	por !p2, p0  }
0x20: {  	[sflag:s8] =	ssyncset.s32 @!p0 $0xFFFFF086;
	s6 =	sadd.s32 @!p0 s3, s7;
	s7 =	simm.s32 @!p0 $0x108  }
0x21: {  	s3 =	sadd.s32 s3, s9;
	s6 =	sadd.s32 @!p0 $0x88, s6;
	s7 =	simm.s32 @p2 $0x1082  }
0x22: {  	[simem:s7], [sflag:s8] =	dma.local @!p0 [hbm:s6], $0xF7A  }
0x23: {  	s9 =	sor.u32 $0xD0000000, s2;
	s6 =	simm.s32 $0x108;
	_ =	swait.ge @!p0 [sflag:s8], $0x0  }
0x24: {  	s3 =	sadd.s32 $0x88, s3;
	s6 =	simm.s32 @!p1 $0x1082;
	[sflag:s4] =	ssyncset.s32 $0xFFFFF086  }
0x25: {  	[simem:s6], [sflag:s4] =	dma.local [hbm:s3], $0xF7A  }
0x26: {  	[smem:$0x3F9B] =	sst s1;
	(tag) =	ssettag s2;
	_ =	strace s9  }
0x27: {  	s1 =	sld [smem:$0x3FAB]  }
0x28: {  	s2 =	sld [smem:$0x3FAC]  }
0x29: {  	s4 =	sld [smem:$0x3FAE]  }
0x2a: {  	p0 =	seq.s32 s5, $0x0;
	s5 =	sld [smem:$0x3FAF]  }
0x2b: {  	s6 =	sld [smem:$0x3FB0]  }
0x2c: {  	s7 =	sld [smem:$0x3FB1]  }
0x2d: {  	s3 =	simm.s32 $0x108;
	s8 =	sld [smem:$0x3FB2]  }
0x2e: {  	s3 =	simm.s32 @!p0 $0x1082;
	s9 =	sld [smem:$0x3FB3]  }
0x2f: {  	lr =	sadd.s32 s0, s3;
	s0 =	sld [smem:$0x3FAA]  }
0x30: {  	s3 =	sld [smem:$0x3FAD]  }
0x31: {  	[smem:$0x3FB6] =	sst s10  }
0x32: {  	s10 =	sld [smem:$0x3FB4];
	_ =	sdelay $0x3  }
0x33: {  	p0 =	seq.s32 s10, $0x1;
	s10 =	sld [smem:$0x3FB6];
	_ =	sdelay $0x3  }
0x34: {  	[smem:$0x3FB6] =	sst s10  }
0x35: {  	s10 =	sld [smem:$0x3FB5];
	_ =	sdelay $0x3  }
0x36: {  	p1 =	seq.s32 s10, $0x1;
	s10 =	sld [smem:$0x3FB6];
	_ =	sdelay $0x3  }
0x37: {  	[smem:$0x3FB6] =	sst s10  }
0x38: {  	s10 =	sld [smem:$0x3FB7]  }
0x39: {  	_ = 	snop;
	(pc) =	sbr.ind lr, $3  }
0x3a: {  	_ = 	snop  }
0x3b: {  	_ = 	snop  }
0x3c: {  	p2 =	seq.s32 s10, $0x1;
	s10 =	sld [smem:$0x3FB6]  }
0x3d: {  	_ =	shalt  }
0x3e: {  	_ =	shalt  }
0x3f: {  	_ =	shalt  }
0x40: {  	_ =	shalt  }
0x41: {  	_ =	shalt  }
0x42: {  	_ =	shalt  }
0x43: {  	_ =	shalt  }
0x44: {  	_ =	shalt  }
0x45: {  	_ =	shalt  }
0x46: {  	_ =	shalt  }
0x47: {  	_ =	shalt  }
0x48: {  	_ =	shalt  }
0x49: {  	_ =	shalt  }
0x4a: {  	_ =	shalt  }
0x4b: {  	_ =	shalt  }
0x4c: {  	_ =	shalt  }
0x4d: {  	_ =	shalt  }
0x4e: {  	_ =	shalt  }
0x4f: {  	_ =	shalt  }
0x50: {  	_ =	shalt  }
0x51: {  	_ =	shalt  }
0x52: {  	_ =	shalt  }
0x53: {  	_ =	shalt  }
0x54: {  	_ =	shalt  }
0x55: {  	_ =	shalt  }
0x56: {  	_ =	shalt  }
0x57: {  	_ =	shalt  }
0x58: {  	_ =	shalt  }
0x59: {  	_ =	shalt  }
0x5a: {  	_ =	shalt  }
0x5b: {  	_ =	shalt  }
0x5c: {  	_ =	shalt  }
0x5d: {  	_ =	shalt  }
0x5e: {  	_ =	shalt  }
0x5f: {  	_ =	shalt  }
0x60: {  	_ =	shalt  }
0x61: {  	_ =	shalt  }
0x62: {  	_ =	shalt  }
0x63: {  	_ =	shalt  }
0x64: {  	_ =	shalt  }
0x65: {  	_ =	shalt  }
0x66: {  	_ =	shalt  }
0x67: {  	_ =	shalt  }
0x68: {  	_ =	shalt  }
0x69: {  	_ =	shalt  }
0x6a: {  	_ =	shalt  }
0x6b: {  	_ =	shalt  }
0x6c: {  	_ =	shalt  }
0x6d: {  	_ =	shalt  }
0x6e: {  	_ =	shalt  }
0x6f: {  	_ =	shalt  }
0x70: {  	_ =	shalt  }
0x71: {  	_ =	shalt  }
0x72: {  	_ =	shalt  }
0x73: {  	_ =	shalt  }
0x74: {  	_ =	shalt  }
0x75: {  	_ =	shalt  }
0x76: {  	_ =	shalt  }
0x77: {  	_ =	shalt  }
0x78: {  	_ =	shalt  }
0x79: {  	_ =	shalt  }
0x7a: {  	_ =	shalt  }
0x7b: {  	_ =	shalt  }
0x7c: {  	_ =	shalt  }
0x7d: {  	_ =	shalt  }
0x7e: {  	_ =	shalt  }
0x7f: {  	_ =	shalt  }
0x80: {  	_ =	shalt  }
0x81: {  	_ =	shalt  }
0x82: {  	_ =	shalt  }
0x83: {  	_ =	shalt  }
0x84: {  	_ =	shalt  }
0x85: {  	_ =	shalt  }
0x86: {  	_ =	shalt  }
0x87: {  	_ =	shalt  }
.Lfunc_end0:
.L_simem_size_0:
called_computation_lowered:
.L_overlay_start_0:
0x88: {  	s2 =	sld [smem:$0x3FD9]  }
0x89: {  	s3 =	sld [smem:$0x3FFE];
	_ =	sdelay $0x1  }
0x8a: {  	s1 =	srdreg.scid  }
0x8b: {  	s0 =	sand.u32 $0x1, s1  }
0x8c: {  	s17 =	sshll.u32 s0, $0xA;
	s2 =	sadd.s32 s3, s2  }
0x8d: {  	s2 =	sadd.s32 s2, s17  }
0x8e: {  	[smem:$0x3FC2] =	sst s2  }
0x8f: {  	_ = 	snop  }
0x90: {  	s2 =	sld [smem:$0x3FC9]  }
0x91: {  	s18 =	sld [smem:$0x3FC8]  }
0x92: {  	s4 =	sld [smem:$0x3FC4]  }
0x93: {  	s5 =	sld [smem:$0x3FD0];
	(tm) =	ssettm $0x1  }
0x94: {  	s6 =	sld [smem:$0x3FFB];
	_ =	sdelay $0x3  }
0x95: {  	_ =	strace s6  }
0x96: {  	s6 =	sld [smem:$0x3FFC];
	_ =	sdelay $0x3  }
0x97: {  	_ =	strace s6  }
0x98: {  	s6 =	sld [smem:$0x3FFD];
	_ =	sdelay $0x3  }
0x99: {  	_ =	strace s6  }
0x9a: {  	_ =	strace $0x8FFFFFFF  }
0x9b: {  	s19 =	sld [smem:$0x3FDB];
	_ =	sdelay $0x1  }
0x9c: {  	s7 =	simm.s32 $_scs_section_size  }
0x9d: {  	s8 =	simm.s32 $_size__tile_overlayer_lowered;
	s9 =	simm.s32 $_tile_overlayer_lowered  }
0x9e: {  	s22 =	simm.s32 $0x1BFF;
	s21 =	sshll.u32 s9, $0x1;
	s6 =	sadd.s32 s7, s19  }
0x9f: {  	s10 =	simm.s32 $0x0;
	s20 =	sshll.u32 s8, $0x1;
	s8 =	sadd.s32 s21, s6  }
0xa0: {  	[timem:s10], [sflag:s22] =	dma.local [hbm:s8], s20  }
0xa1: {  	_ =	swait.ge [sflag:s22], s20  }
0xa2: {  	s7 =	ssub.s32 $0x0, s20;
	[sflag:s22] =	ssyncset.done $0x0  }
0xa3: {  	[sflag:s22] =	ssyncadd.s32 s7;
	_ =	sdelay $0x1  }
0xa4: {  	s23 =	simm.s32 $0x1B8B  }
0xa5: {  	_ =	swait.ge [sflag:s23], $0x1  }
0xa6: {  	[sflag:s23] =	ssyncset.done $0x0  }
0xa7: {  	s25 =	simm.s32 $0x1B8E;
	s24 =	sld [smem:$0x3FFE];
	[sflag:s23] =	ssyncadd.s32 $0xFFFFFFFF  }
0xa8: {  	s26 =	simm.s32 $execute0_lowered;
	[smem:$0x3FD2] =	sst s25  }
0xa9: {  	s8 =	sshll.u32 s26, $0x1;
	_ =	strace $0x80000046;
	[dreg:$0x1] =	wrdreg $0xFFFFFFFF  }
0xaa: {  	s28 =	simm.s32 $_size_execute0_lowered;
	s6 =	sadd.s32 s6, s8;
	[dreg:$0x0] =	wrdreg $0x0  }
0xab: {  	s8 =	sshll.u32 s28, $0x1;
	[dreg:$0x2] =	wrdreg s6  }
0xac: {  	[dreg:$0x3] =	wrdreg s8  }
0xad: {  	[dreg:$0x4] =	wrdreg $0xC0  }
0xae: {  	_ =	task [dreg:s10], $0x5FFFF  }
0xaf: {  	[dreg:$0x1] =	wrdreg $0xFFFFFFFF  }
0xb0: {  	[dreg:$0x0] =	wrdreg $0x60  }
0xb1: {  	[dreg:$0x2] =	wrdreg s2  }
0xb2: {  	[dreg:$0x3] =	wrdreg s18  }
0xb3: {  	[dreg:$0x4] =	wrdreg s24  }
0xb4: {  	[dreg:$0x5] =	wrdreg s4  }
0xb5: {  	[dreg:$0x6] =	wrdreg s5  }
0xb6: {  	[dreg:$0x7] =	wrdreg $0x9  }
0xb7: {  	_ =	task.clear_ibuf [dreg:s10], $0x8FFFF;
	_ =	strace $0x90000046  }
0xb8: {  	s29 =	simm.s32 $0x9;
	_ =	strace $0x80000048  }
0xb9: {  	_ =	swait.ge [sflag:s29], $0x1  }
0xba: {  	[sflag:s29] =	ssyncadd.s32 $0xFFFFFFFF  }
0xbb: {  	_ =	strace $0x90000048  }
0xbc: {  	_ =	sfence  }
0xbd: {  	s30 =	sld [smem:$0x0];
	_ =	sdelay $0x2  }
0xbe: {  	s31 =	sshll.u32 s1, $0xD;
	s1 =	sshrl.u32 s1, $0x2  }
0xbf: {  	s3 =	sand.u32 $0x4000, s31;
	s1 =	sadd.s32 s1, s30  }
0xc0: {  	s0 =	sor.u32 s3, s0;
	s1 =	sshll.u32 s1, $0x11  }
0xc1: {  	s0 =	sor.u32 s1, s0  }
0xc2: {  	s0 =	sadd.s32 $0x8F2B, s0  }
0xc3: {  	[sflag:s0] =	ssyncadd.remote.s32 $0x1  }
0xc4: {  	_ =	sfence.sel $0xFFFF  }
0xc5: {  	[dreg:$0x0] =	wrdreg $0xFFFFFFFF;
	(pc) =	sbr.abs _section_cstart, $3  }
0xc6: {  	[dreg:$0x1] =	wrdreg $0xFFFFFFFF  }
0xc7: {  	_ =	task.clear_ibuf [dreg:s10], $0x2FFFF;
	_ =	strace $0x9FFFFFFF  }
0xc8: {  	(tm) =	ssettm $0x7FFFFFFF  }
0xc9: {  	_ =	shalt  }
tec
execute0_lowered:
.L_overlay_start_1:
0x0: {  	(tag) =	ssettag $0x1  }
0x1: {  	v1 =	vimm.s32 $0xFEDCBA9;
	v0 =	vlaneseq.u32  }
0x2: {  	v3 =	vimm.s32 $0x87654321;
	v4 =	vimm.s32 $0x98765432;
	v5 =	vimm.s32 $0x210FEDCB  }
0x3: {  	v6 =	vimm.s32 $0xA9876543;
	v16 =	vimm.s32 $0xCBA98765;
	v18 =	vimm.s32 $0x6543210F  }
0x4: {  	v19 =	vimm.s32 $0xEDCBA987;
	v20 =	vimm.s32 $0xFEDCBA98;
	v21 =	vimm.s32 $0x76543210  }
0x5: {  	v2 =	vunpack.c.l.s4.s8 v1;
	v1 =	vmul.u32 $0x10, v0;
	v4 =	vunpack.c.l.s4.s8 v4  }
0x6: {  	v5 =	vunpack.c.l.s4.s8 v5;
	v18 =	vunpack.c.l.s4.s8 v18;
	v19 =	vunpack.c.l.s4.s8 v19  }
0x7: {  	v20 =	vunpack.c.l.s4.s8 v20;
	v8 =	vunpack.c.0.s8.s32 v2;
	v2 =	vunpack.c.l.s4.s8 v3  }
0x8: {  	v3 =	vimm.s32 $0x10FEDCBA;
	v11 =	vunpack.c.0.s8.s32 v4;
	v12 =	vunpack.c.0.s8.s32 v5  }
0x9: {  	v18 =	vunpack.c.0.s8.s32 v18;
	v19 =	vunpack.c.0.s8.s32 v19;
	v3 =	vunpack.c.l.s4.s8 v3  }
0xa: {  	v20 =	vunpack.c.0.s8.s32 v20;
	v9 =	vunpack.c.0.s8.s32 v2;
	v2 =	vunpack.c.l.s4.s8 v6  }
0xb: {  	s0 =	rddreg [dreg:$0x0];
	v24 =	vcombine.low v19, v18;
	v10 =	vunpack.c.0.s8.s32 v3;
	v3 =	vimm.s32 $0x3210FEDC  }
0xc: {  	s1 =	rddreg [dreg:$0x1];
	v20 =	vand.u32 $0xF, v20;
	v13 =	vunpack.c.0.s8.s32 v2;
	v2 =	vunpack.c.l.s4.s8 v3  }
0xd: {  	s3 =	rddreg [dreg:$0x2];
	v3 =	vimm.s32 $0xBA987654;
	v4 =	vcombine.low v9, v8;
	v63 =	vcombine.low v8, v9  }
0xe: {  	s9 =	rddreg [dreg:$0x4];
	s2 =	simm.s32 $0x0;
	v9 =	vand.u32 $0xF, v24;
	v5 =	vcombine.low v11, v10;
	v3 =	vunpack.c.l.s4.s8 v3  }
0xf: {  	s5 =	srdreg.scid;
	s8 =	stileid.u32;
	s12 =	simm.s32 $0x200;
	v11 =	vcombine.low v10, v11;
	v6 =	vcombine.low v13, v12;
	v14 =	vunpack.c.0.s8.s32 v2  }
0x10: {  	s13 =	simm.s32 $0x4400;
	s14 =	simm.s32 $0x4500;
	s15 =	simm.s32 $0x80;
	v2 =	vimm.s32 $0x43210FED;
	v12 =	vcombine.low v12, v13;
	v15 =	vunpack.c.0.s8.s32 v3  }
0x11: {  	s16 =	simm.s32 $0x400;
	s17 =	simm.s32 $0x2400;
	s18 =	simm.s32 $0xC00;
	v7 =	vunpack.c.l.s4.s8 v2;
	v3 =	vand.u32 $0xF, v5;
	v5 =	vunpack.c.l.s4.s8 v16  }
0x12: {  	s19 =	simm.s32 $0x280;
	s20 =	simm.s32 $0x2C00;
	s22 =	simm.s32 $0x1400;
	v10 =	vand.u32 $0xF, v63;
	v2 =	vand.u32 $0xF, v4;
	v11 =	vand.u32 $0xF, v11  }
0x13: {  	s23 =	simm.s32 $0x300;
	s24 =	simm.s32 $0x3400;
	s25 =	simm.s32 $0x180;
	v4 =	vand.u32 $0xF, v6;
	v16 =	vunpack.c.0.s8.s32 v7;
	v17 =	vunpack.c.0.s8.s32 v5  }
0x14: {  	s21 =	simm.s32 $0x100;
	s28 =	simm.s32 $0x380;
	s29 =	simm.s32 $0x3C00;
	v5 =	vimm.s32 $0x543210FE;
	v7 =	vimm.s32 $0xDCBA9876;
	v13 =	vcombine.low v14, v15  }
0x15: {  	s30 =	simm.s32 $0x1;
	s31 =	simm.s32 $0x4510;
	[smem:$0x7FF] =	sst s2;
	v12 =	vand.u32 $0xF, v12;
	v5 =	vunpack.c.l.s4.s8 v5;
	v7 =	vunpack.c.l.s4.s8 v7  }
0x16: {  	s4 =	sadd.s32 $0x112B000, s3;
	s5 =	sand.u32 $0x1, s5;
	s8 =	sshll.u32 s8, $0x6;
	v6 =	vcombine.low v15, v14;
	v14 =	vcombine.low v16, v17;
	v13 =	vand.u32 $0xF, v13  }
0x17: {  	_ =	strace $0x80000047;
	s7 =	ssub.s32 $0x2, s5;
	s6 =	sshll.u32 s5, $0xA;
	v22 =	vunpack.c.0.s8.s32 v5;
	v23 =	vunpack.c.0.s8.s32 v7;
	v7 =	vunpack.c.l.s4.s8 v21  }
0x18: {  	s5 =	sadd.s32 $0xF42A00, s3;
	s10 =	sshrl.u32 s7, $0x1;
	s11 =	sor.u32 s8, s6;
	v5 =	vand.u32 $0xF, v6;
	v6 =	vcombine.low v17, v16;
	v16 =	vcombine.low v18, v19  }
0x19: {  	s6 =	sadd.s32 $0x600, s3;
	s26 =	ssub.s32 s7, s10;
	s7 =	sadd.s32 s0, s11;
	v7 =	vunpack.c.0.s8.s32 v7;
	v62 =	vcombine.low v23, v22;
	v15 =	vcombine.low v22, v23  }
0x1a: {  	s8 =	sadd.s32 s1, s11;
	s9 =	sadd.s32 s9, s11;
	s11 =	simm.s32 $0x2;
	v14 =	vand.u32 $0xF, v14;
	v6 =	vand.u32 $0xF, v6;
	v16 =	vand.u32 $0xF, v16  }
0x1b: {  	s1 =	simm.s32 $0x0;
	s10 =	smax.u32 s26, $0x1;
	s26 =	simm.s32 $0x1C00;
	v7 =	vcombine.low v20, v7;
	v8 =	vand.u32 $0xF, v62;
	v15 =	vand.u32 $0xF, v15  }
.LBB2_1:
0x1c: {  	[tilespmem:s2], [sflag:$0x2] =	stream.linear.gather [hbm4b:s7+s2], $0x200, $0x38;
	[tilespmem:$0x4710] =	vst v63  }
0x1d: {  	_ =	swait.ge [sflag:s11], $0x200  }
0x1e: {  	[sflag:s11] =	ssyncset.done $0x0  }
0x1f: {  	[sflag:s11] =	ssyncadd.s32 $0xFFFFFE00  }
0x20: {  	[tilespmem:s12], [sflag:$0x2] =	stream.linear.gather [hbm4b:s8+s2], $0x200, $0x38;
	[tilespmem:$0x4710] =	vst v63  }
0x21: {  	_ =	swait.ge [sflag:s11], $0x200  }
0x22: {  	[sflag:s11] =	ssyncset.done $0x0  }
0x23: {  	[sflag:s11] =	ssyncadd.s32 $0xFFFFFE00  }
0x24: {  	[tilespmem:s13], [sflag:$0x2] =	stream.linear.gather [hbm4b:s6+s2], $0x100, $0x38;
	[tilespmem:$0x4710] =	vst v63  }
0x25: {  	_ =	swait.ge [sflag:s11], $0x100  }
0x26: {  	[sflag:s11] =	ssyncset.done $0x0  }
0x27: {  	[sflag:s11] =	ssyncadd.s32 $0xFFFFFF00  }
0x28: {  	s0 =	rddreg [dreg:$0x3]  }
0x29: {  	[tilespmem:s14], [sflag:$0x2] =	stream.linear.gather [hbm4b:s0+s2], $0x10, $0x38;
	[tilespmem:$0x4710] =	vst v63  }
0x2a: {  	_ =	swait.ge [sflag:s11], $0x10  }
0x2b: {  	[sflag:s11] =	ssyncset.done $0x0  }
0x2c: {  	[sflag:s11] =	ssyncadd.s32 $0xFFFFFFF0  }
0x2d: {  	[tilespmem:s16], [sflag:$0x1] =	stream.indirect.gather [hbm4b:s4+s15], $0x10, s2, s15, $0xb8;
	[tilespmem:$0x4710] =	vst v63  }
0x2e: {  	_ = 	snop  }
0x2f: {  	[tilespmem:s17], [sflag:$0x1] =	stream.indirect.gather [hbm4b:s5+s15], $0x10, s12, s15, $0xb8;
	[tilespmem:$0x4710] =	vst v63  }
0x30: {  	_ = 	snop  }
0x31: {  	[tilespmem:s18], [sflag:$0x1] =	stream.indirect.gather [hbm4b:s4+s15], $0x10, s15, s15, $0xb8;
	[tilespmem:$0x4710] =	vst v63  }
0x32: {  	_ = 	snop  }
0x33: {  	[tilespmem:s20], [sflag:$0x1] =	stream.indirect.gather [hbm4b:s5+s15], $0x10, s19, s15, $0xb8;
	[tilespmem:$0x4710] =	vst v63  }
0x34: {  	_ = 	snop  }
0x35: {  	[tilespmem:s22], [sflag:$0x1] =	stream.indirect.gather [hbm4b:s4+s15], $0x10, s21, s15, $0xb8;
	[tilespmem:$0x4710] =	vst v63  }
0x36: {  	_ = 	snop  }
0x37: {  	[tilespmem:s24], [sflag:$0x1] =	stream.indirect.gather [hbm4b:s5+s15], $0x10, s23, s15, $0xb8;
	[tilespmem:$0x4710] =	vst v63  }
0x38: {  	_ = 	snop  }
0x39: {  	[tilespmem:s26], [sflag:$0x1] =	stream.indirect.gather [hbm4b:s4+s15], $0x10, s25, s15, $0xb8;
	[tilespmem:$0x4710] =	vst v63  }
0x3a: {  	_ = 	snop  }
0x3b: {  	[tilespmem:s29], [sflag:$0x1] =	stream.indirect.gather [hbm4b:s5+s15], $0x10, s28, s15, $0xb8;
	[tilespmem:$0x4710] =	vst v63  }
0x3c: {  	_ =	swait.ge [sflag:s30], $0x800  }
0x3d: {  	[sflag:s30] =	ssyncset.done $0x0  }
0x3e: {  	[sflag:s30] =	ssyncadd.s32 $0xFFFFF800  }
0x3f: {  	_ =	swait.ge [sflag:s30], $0x800  }
0x40: {  	[sflag:s30] =	ssyncset.done $0x0  }
0x41: {  	[sflag:s30] =	ssyncadd.s32 $0xFFFFF800  }
0x42: {  	_ =	swait.ge [sflag:s30], $0x800  }
0x43: {  	[sflag:s30] =	ssyncset.done $0x0  }
0x44: {  	[sflag:s30] =	ssyncadd.s32 $0xFFFFF800  }
0x45: {  	_ =	swait.ge [sflag:s30], $0x800  }
0x46: {  	[sflag:s30] =	ssyncset.done $0x0  }
0x47: {  	[sflag:s30] =	ssyncadd.s32 $0xFFFFF800  }
0x48: {  	_ =	swait.ge [sflag:s30], $0x800  }
0x49: {  	[sflag:s30] =	ssyncset.done $0x0  }
0x4a: {  	[sflag:s30] =	ssyncadd.s32 $0xFFFFF800  }
0x4b: {  	_ =	swait.ge [sflag:s30], $0x800  }
0x4c: {  	[sflag:s30] =	ssyncset.done $0x0  }
0x4d: {  	[sflag:s30] =	ssyncadd.s32 $0xFFFFF800  }
0x4e: {  	_ =	swait.ge [sflag:s30], $0x800  }
0x4f: {  	[sflag:s30] =	ssyncset.done $0x0  }
0x50: {  	[sflag:s30] =	ssyncadd.s32 $0xFFFFF800  }
0x51: {  	_ =	swait.ge [sflag:s30], $0x800  }
0x52: {  	[sflag:s30] =	ssyncset.done $0x0  }
0x53: {  	[sflag:s30] =	ssyncadd.s32 $0xFFFFF800  }
0x54: {  	v31 =	vld [tilespmem:$0x4400]  }
0x55: {  	v30 =	vld [tilespmem:$0x4410]  }
0x56: {  	v29 =	vld [tilespmem:$0x4420]  }
0x57: {  	v28 =	vld [tilespmem:$0x4430]  }
0x58: {  	v27 =	vld [tilespmem:$0x4440]  }
0x59: {  	v26 =	vld [tilespmem:$0x4450]  }
0x5a: {  	v25 =	vld [tilespmem:$0x4460]  }
0x5b: {  	v17 =	vmov s2;
	v24 =	vld [tilespmem:$0x4470]  }
0x5c: {  	v17 =	vshll.u32 v17, $0x4;
	v23 =	vld [tilespmem:$0x4480]  }
0x5d: {  	v32 =	vor.u32 v1, v17;
	v22 =	vld [tilespmem:$0x4490]  }
0x5e: {  	v33 =	vor.u32 v0, v32;
	v21 =	vld [tilespmem:$0x44A0]  }
0x5f: {  	v20 =	vld [tilespmem:$0x44B0]  }
0x60: {  	v34 =	vor.u32 v2, v32;
	v19 =	vld [tilespmem:$0x44C0]  }
0x61: {  	v18 =	vld [tilespmem:$0x44D0]  }
0x62: {  	v35 =	vor.u32 v3, v32;
	v17 =	vld [tilespmem:$0x44E0]  }
0x63: {  	v36 =	vld.idx.msk [tilespmem:v33+s17+$0x0], $0xffff  }
0x64: {  	v37 =	vor.u32 v4, v32;
	v33 =	vld.idx.msk [tilespmem:v33+s16+$0x0], $0xffff  }
0x65: {  	v38 =	vld.idx.msk [tilespmem:v34+s16+$0x0], $0xffff  }
0x66: {  	v39 =	vor.u32 v5, v32;
	v34 =	vld.idx.msk [tilespmem:v34+s17+$0x0], $0xffff  }
0x67: {  	v40 =	vld.idx.msk [tilespmem:v35+s16+$0x0], $0xffff  }
0x68: {  	v41 =	vor.u32 v6, v32;
	v35 =	vld.idx.msk [tilespmem:v35+s17+$0x0], $0xffff  }
0x69: {  	v42 =	vld.idx.msk [tilespmem:v37+s16+$0x0], $0xffff;
	v33 =	vmul.f32 v36, v33  }
0x6a: {  	v60 =	vor.u32 v8, v32;
	v59 =	vld.idx.msk [tilespmem:v37+s17+$0x0], $0xffff  }
0x6b: {  	v43 =	vld.idx.msk [tilespmem:v39+s16+$0x0], $0xffff;
	v34 =	vmul.f32 v34, v38;
	v33 =	vmul.f32 v33, v31  }
0x6c: {  	v62 =	vor.u32 v9, v32;
	v61 =	vld.idx.msk [tilespmem:v39+s17+$0x0], $0xffff  }
0x6d: {  	v44 =	vld.idx.msk [tilespmem:v41+s16+$0x0], $0xffff;
	v35 =	vmul.f32 v35, v40;
	v34 =	vmul.f32 v34, v30;
	v33 =	vadd.f32 $0.0e+00, v33  }
0x6e: {  	v63 =	vor.u32 v7, v32;
	v41 =	vld.idx.msk [tilespmem:v41+s17+$0x0], $0xffff  }
0x6f: {  	v45 =	vld.idx.msk [tilespmem:v60+s16+$0x0], $0xffff;
	v49 =	vmul.f32 v59, v42;
	v48 =	vmul.f32 v35, v29;
	v33 =	vadd.f32 v34, v33  }
0x70: {  	v50 =	vor.u32 v10, v32;
	v37 =	vld.idx.msk [tilespmem:v60+s17+$0x0], $0xffff  }
0x71: {  	v51 =	vld.idx.msk [tilespmem:v62+s16+$0x0], $0xffff;
	v53 =	vmul.f32 v61, v43;
	v52 =	vmul.f32 v49, v28;
	v33 =	vadd.f32 v48, v33  }
0x72: {  	v54 =	vor.u32 v11, v32;
	v39 =	vld.idx.msk [tilespmem:v62+s17+$0x0], $0xffff  }
0x73: {  	v55 =	vld.idx.msk [tilespmem:v63+s16+$0x0], $0xffff;
	v57 =	vmul.f32 v41, v44;
	v56 =	vmul.f32 v53, v27;
	v33 =	vadd.f32 v52, v33  }
0x74: {  	v58 =	vor.u32 v12, v32;
	v40 =	vld.idx.msk [tilespmem:v63+s17+$0x0], $0xffff  }
0x75: {  	v59 =	vld.idx.msk [tilespmem:v50+s16+$0x0], $0xffff;
	v61 =	vmul.f32 v37, v45;
	v60 =	vmul.f32 v57, v26;
	v33 =	vadd.f32 v56, v33  }
0x76: {  	v62 =	vor.u32 v13, v32;
	v36 =	vld.idx.msk [tilespmem:v50+s17+$0x0], $0xffff  }
0x77: {  	v63 =	vld.idx.msk [tilespmem:v54+s16+$0x0], $0xffff;
	v47 =	vmul.f32 v61, v25;
	v48 =	vmul.f32 v39, v51;
	v33 =	vadd.f32 v60, v33  }
0x78: {  	v38 =	vld.idx.msk [tilespmem:v54+s17+$0x0], $0xffff;
	v49 =	vor.u32 v14, v32  }
0x79: {  	v50 =	vld.idx.msk [tilespmem:v58+s16+$0x0], $0xffff;
	v51 =	vmul.f32 v48, v24;
	v52 =	vmul.f32 v40, v55;
	v33 =	vadd.f32 v47, v33  }
0x7a: {  	v41 =	vld.idx.msk [tilespmem:v58+s17+$0x0], $0xffff;
	v53 =	vor.u32 v15, v32  }
0x7b: {  	v54 =	vld.idx.msk [tilespmem:v62+s16+$0x0], $0xffff;
	v55 =	vmul.f32 v52, v23;
	v56 =	vmul.f32 v36, v59;
	v33 =	vadd.f32 v51, v33  }
0x7c: {  	v32 =	vor.u32 v16, v32;
	v57 =	vld.idx.msk [tilespmem:v62+s17+$0x0], $0xffff  }
0x7d: {  	v58 =	vld.idx.msk [tilespmem:v49+s16+$0x0], $0xffff;
	v59 =	vmul.f32 v56, v22;
	v60 =	vmul.f32 v38, v63;
	v33 =	vadd.f32 v55, v33  }
0x7e: {  	v61 =	vld.idx.msk [tilespmem:v49+s17+$0x0], $0xffff  }
0x7f: {  	v44 =	vmul.f32 v41, v50;
	v62 =	vld.idx.msk [tilespmem:v53+s16+$0x0], $0xffff;
	v63 =	vmul.f32 v60, v21;
	v33 =	vadd.f32 v59, v33  }
0x80: {  	v40 =	vld.idx.msk [tilespmem:v53+s17+$0x0], $0xffff  }
0x81: {  	v45 =	vld.idx.msk [tilespmem:v32+s16+$0x0], $0xffff;
	v46 =	vmul.f32 v44, v20;
	v47 =	vmul.f32 v57, v54;
	v33 =	vadd.f32 v63, v33  }
0x82: {  	v48 =	vld.idx.msk [tilespmem:v32+s17+$0x0], $0xffff  }
0x83: {  	v50 =	vmul.f32 v61, v58;
	v49 =	vmul.f32 v47, v19;
	v33 =	vadd.f32 v46, v33  }
0x84: {  	v32 =	vld [tilespmem:$0x44F0]  }
0x85: {  	v52 =	vmul.f32 v40, v62;
	v51 =	vmul.f32 v50, v18;
	v33 =	vadd.f32 v49, v33;
	_ =	sdelay $0x1  }
0x86: {  	v36 =	vmul.f32 v48, v45;
	v35 =	vmul.f32 v52, v17;
	v34 =	vadd.f32 v51, v33  }
0x87: {  	v33 =	vld [tilespmem:$0x4500]  }
0x88: {  	v53 =	vmul.f32 v36, v32;
	v34 =	vadd.f32 v35, v34;
	_ =	sdelay $0x1  }
0x89: {  	v34 =	vadd.f32 v53, v34;
	_ =	sdelay $0x1  }
0x8a: {  	v34 =	vadd.f32 v34, v33;
	_ =	sdelay $0x1  }
0x8b: {  	v34 =	vsub.f32 $0.0e+00, v34;
	_ =	sdelay $0x1  }
0x8c: {  	v34 =	vmul.f32 $1.442695020e+00, v34;
	_ =	sdelay $0x1  }
0x8d: {  	(erf) = vpow2.f32 v34;
	_ =	sdelay $0x8  }
0x8e: {  	v34 =	vpop (erf)  }
0x8f: {  	v34 =	vadd.f32 $1.000000000e+00, v34;
	_ =	sdelay $0x1  }
0x90: {  	(erf) = vrcp.f32 v34;
	_ =	sdelay $0x1  }
0x91: {  	s3 =	simm.s32 $0x10  }
0x92: {  	v54 =	vmov s3  }
0x93: {  	v34 =	vshll.u32 v54, $0x4  }
0x94: {  	v34 =	vor.u32 v1, v34  }
0x95: {  	v55 =	vor.u32 v0, v34;
	_ =	sdelay $0x1  }
0x96: {  	v56 =	vor.u32 v2, v34  }
0x97: {  	v57 =	vpop (erf)  }
0x98: {  	v58 =	vor.u32 v3, v34;
	[tilespmem:s31+$0x0] =	vst v57  }
0x99: {  	v37 =	vld.idx.msk [tilespmem:v55+s17+$0x0], $0xffff  }
0x9a: {  	v59 =	vor.u32 v4, v34;
	v35 =	vld.idx.msk [tilespmem:v55+s16+$0x0], $0xffff  }
0x9b: {  	v60 =	vld.idx.msk [tilespmem:v56+s16+$0x0], $0xffff  }
0x9c: {  	v61 =	vor.u32 v5, v34;
	v36 =	vld.idx.msk [tilespmem:v56+s17+$0x0], $0xffff  }
0x9d: {  	v62 =	vld.idx.msk [tilespmem:v58+s16+$0x0], $0xffff  }
0x9e: {  	v63 =	vor.u32 v6, v34;
	v38 =	vld.idx.msk [tilespmem:v58+s17+$0x0], $0xffff  }
0x9f: {  	v48 =	vld.idx.msk [tilespmem:v59+s16+$0x0], $0xffff;
	v35 =	vmul.f32 v37, v35  }
0xa0: {  	v50 =	vor.u32 v8, v34;
	v49 =	vld.idx.msk [tilespmem:v59+s17+$0x0], $0xffff  }
0xa1: {  	v51 =	vld.idx.msk [tilespmem:v61+s16+$0x0], $0xffff;
	v36 =	vmul.f32 v36, v60;
	v35 =	vmul.f32 v35, v31  }
0xa2: {  	v53 =	vor.u32 v9, v34;
	v52 =	vld.idx.msk [tilespmem:v61+s17+$0x0], $0xffff  }
0xa3: {  	v46 =	vld.idx.msk [tilespmem:v63+s16+$0x0], $0xffff;
	v38 =	vmul.f32 v38, v62;
	v36 =	vmul.f32 v36, v30;
	v35 =	vadd.f32 $0.0e+00, v35  }
0xa4: {  	v54 =	vor.u32 v7, v34;
	v43 =	vld.idx.msk [tilespmem:v63+s17+$0x0], $0xffff  }
0xa5: {  	v47 =	vld.idx.msk [tilespmem:v50+s16+$0x0], $0xffff;
	v37 =	vmul.f32 v49, v48;
	v55 =	vmul.f32 v38, v29;
	v35 =	vadd.f32 v36, v35  }
0xa6: {  	v56 =	vor.u32 v10, v34;
	v39 =	vld.idx.msk [tilespmem:v50+s17+$0x0], $0xffff  }
0xa7: {  	v57 =	vld.idx.msk [tilespmem:v53+s16+$0x0], $0xffff;
	v59 =	vmul.f32 v52, v51;
	v58 =	vmul.f32 v37, v28;
	v35 =	vadd.f32 v55, v35  }
0xa8: {  	v41 =	vld.idx.msk [tilespmem:v53+s17+$0x0], $0xffff;
	v60 =	vor.u32 v11, v34  }
0xa9: {  	v61 =	vld.idx.msk [tilespmem:v54+s16+$0x0], $0xffff;
	v63 =	vmul.f32 v43, v46;
	v62 =	vmul.f32 v59, v27;
	v35 =	vadd.f32 v58, v35  }
0xaa: {  	v42 =	vld.idx.msk [tilespmem:v54+s17+$0x0], $0xffff;
	v48 =	vor.u32 v12, v34  }
0xab: {  	v49 =	vld.idx.msk [tilespmem:v56+s16+$0x0], $0xffff;
	v51 =	vmul.f32 v39, v47;
	v50 =	vmul.f32 v63, v26;
	v35 =	vadd.f32 v62, v35  }
0xac: {  	v52 =	vor.u32 v13, v34;
	v38 =	vld.idx.msk [tilespmem:v56+s17+$0x0], $0xffff  }
0xad: {  	v54 =	vmul.f32 v51, v25;
	v53 =	vld.idx.msk [tilespmem:v60+s16+$0x0], $0xffff;
	v55 =	vmul.f32 v41, v57;
	v35 =	vadd.f32 v50, v35  }
0xae: {  	v56 =	vor.u32 v14, v34;
	v40 =	vld.idx.msk [tilespmem:v60+s17+$0x0], $0xffff  }
0xaf: {  	v59 =	vmul.f32 v42, v61;
	v43 =	vld.idx.msk [tilespmem:v48+s17+$0x0], $0xffff;
	v58 =	vmul.f32 v55, v24;
	v35 =	vadd.f32 v54, v35  }
0xb0: {  	v60 =	vor.u32 v15, v34;
	v57 =	vld.idx.msk [tilespmem:v48+s16+$0x0], $0xffff  }
0xb1: {  	v61 =	vld.idx.msk [tilespmem:v52+s16+$0x0], $0xffff;
	v63 =	vmul.f32 v38, v49;
	v62 =	vmul.f32 v59, v23;
	v35 =	vadd.f32 v58, v35  }
0xb2: {  	v34 =	vor.u32 v16, v34;
	v46 =	vld.idx.msk [tilespmem:v52+s17+$0x0], $0xffff  }
0xb3: {  	v51 =	vld.idx.msk [tilespmem:v56+s17+$0x0], $0xffff;
	v49 =	vmul.f32 v63, v22;
	v50 =	vmul.f32 v40, v53;
	v35 =	vadd.f32 v62, v35  }
0xb4: {  	v48 =	vld.idx.msk [tilespmem:v56+s16+$0x0], $0xffff  }
0xb5: {  	v52 =	vld.idx.msk [tilespmem:v60+s16+$0x0], $0xffff;
	v53 =	vmul.f32 v50, v21;
	v54 =	vmul.f32 v43, v57;
	v35 =	vadd.f32 v49, v35  }
0xb6: {  	v42 =	vld.idx.msk [tilespmem:v60+s17+$0x0], $0xffff  }
0xb7: {  	v55 =	vld.idx.msk [tilespmem:v34+s16+$0x0], $0xffff;
	v57 =	vmul.f32 v46, v61;
	v56 =	vmul.f32 v54, v20;
	v35 =	vadd.f32 v53, v35  }
0xb8: {  	v34 =	vld.idx.msk [tilespmem:v34+s17+$0x0], $0xffff  }
0xb9: {  	v59 =	vmul.f32 v51, v48;
	v58 =	vmul.f32 v57, v19;
	v35 =	vadd.f32 v56, v35;
	_ =	sdelay $0x1  }
0xba: {  	v60 =	vmul.f32 v59, v18;
	v61 =	vmul.f32 v42, v52;
	v35 =	vadd.f32 v58, v35;
	_ =	sdelay $0x1  }
0xbb: {  	v34 =	vmul.f32 v34, v55;
	v62 =	vmul.f32 v61, v17;
	v35 =	vadd.f32 v60, v35;
	_ =	sdelay $0x1  }
0xbc: {  	v34 =	vmul.f32 v34, v32;
	v35 =	vadd.f32 v62, v35;
	_ =	sdelay $0x1  }
0xbd: {  	v34 =	vadd.f32 v34, v35;
	_ =	sdelay $0x1  }
0xbe: {  	v34 =	vadd.f32 v34, v33;
	_ =	sdelay $0x1  }
0xbf: {  	v34 =	vsub.f32 $0.0e+00, v34;
	_ =	sdelay $0x1  }
0xc0: {  	v34 =	vmul.f32 $1.442695020e+00, v34;
	_ =	sdelay $0x1  }
0xc1: {  	(erf) = vpow2.f32 v34;
	_ =	sdelay $0x8  }
0xc2: {  	v34 =	vpop (erf)  }
0xc3: {  	v34 =	vadd.f32 $1.000000000e+00, v34;
	_ =	sdelay $0x1  }
0xc4: {  	(erf) = vrcp.f32 v34;
	_ =	sdelay $0x1  }
0xc5: {  	s3 =	simm.s32 $0x20  }
0xc6: {  	v63 =	vmov s3  }
0xc7: {  	s0 =	simm.s32 $0x30;
	s3 =	simm.s32 $0x4510;
	v34 =	vshll.u32 v63, $0x4  }
.LBB2_2:
0xc8: {  	p0 =	sne.s32 s0, $0x1F0;
	v34 =	vor.u32 v1, v34  }
0xc9: {  	v35 =	vor.u32 v0, v34;
	_ =	sdelay $0x1  }
0xca: {  	v36 =	vor.u32 v2, v34  }
0xcb: {  	s3 =	sadd.s32 $0x10, s3;
	v37 =	vpop (erf)  }
0xcc: {  	v38 =	vor.u32 v3, v34;
	[tilespmem:s3+$0x0] =	vst v37  }
0xcd: {  	v37 =	vld.idx.msk [tilespmem:v35+s17+$0x0], $0xffff  }
0xce: {  	v39 =	vor.u32 v4, v34;
	v35 =	vld.idx.msk [tilespmem:v35+s16+$0x0], $0xffff  }
0xcf: {  	v40 =	vld.idx.msk [tilespmem:v36+s16+$0x0], $0xffff  }
0xd0: {  	v41 =	vor.u32 v5, v34;
	v36 =	vld.idx.msk [tilespmem:v36+s17+$0x0], $0xffff  }
0xd1: {  	v42 =	vld.idx.msk [tilespmem:v38+s16+$0x0], $0xffff  }
0xd2: {  	v43 =	vor.u32 v6, v34;
	v38 =	vld.idx.msk [tilespmem:v38+s17+$0x0], $0xffff  }
0xd3: {  	v44 =	vld.idx.msk [tilespmem:v39+s16+$0x0], $0xffff  }
0xd4: {  	v35 =	vmul.f32 v37, v35;
	v37 =	vld.idx.msk [tilespmem:v39+s17+$0x0], $0xffff;
	v39 =	vor.u32 v8, v34  }
0xd5: {  	v45 =	vld.idx.msk [tilespmem:v41+s16+$0x0], $0xffff  }
0xd6: {  	v35 =	vmul.f32 v35, v31;
	v36 =	vmul.f32 v36, v40;
	v40 =	vld.idx.msk [tilespmem:v41+s17+$0x0], $0xffff;
	v41 =	vor.u32 v9, v34  }
0xd7: {  	v47 =	vor.u32 v7, v34;
	v46 =	vld.idx.msk [tilespmem:v43+s16+$0x0], $0xffff  }
0xd8: {  	v35 =	vadd.f32 $0.0e+00, v35;
	v36 =	vmul.f32 v36, v30;
	v38 =	vmul.f32 v38, v42;
	v42 =	vld.idx.msk [tilespmem:v43+s17+$0x0], $0xffff  }
0xd9: {  	v48 =	vor.u32 v10, v34;
	v43 =	vld.idx.msk [tilespmem:v39+s16+$0x0], $0xffff  }
0xda: {  	v35 =	vadd.f32 v36, v35;
	v36 =	vmul.f32 v38, v29;
	v37 =	vmul.f32 v37, v44;
	v38 =	vld.idx.msk [tilespmem:v39+s17+$0x0], $0xffff  }
0xdb: {  	v44 =	vor.u32 v11, v34;
	v39 =	vld.idx.msk [tilespmem:v41+s16+$0x0], $0xffff  }
0xdc: {  	v35 =	vadd.f32 v36, v35;
	v36 =	vmul.f32 v37, v28;
	v37 =	vmul.f32 v40, v45;
	v40 =	vld.idx.msk [tilespmem:v41+s17+$0x0], $0xffff  }
0xdd: {  	v45 =	vor.u32 v12, v34;
	v41 =	vld.idx.msk [tilespmem:v47+s16+$0x0], $0xffff  }
0xde: {  	v35 =	vadd.f32 v36, v35;
	v36 =	vmul.f32 v37, v27;
	v37 =	vmul.f32 v42, v46;
	v42 =	vld.idx.msk [tilespmem:v47+s17+$0x0], $0xffff  }
0xdf: {  	v47 =	vor.u32 v13, v34;
	v46 =	vld.idx.msk [tilespmem:v48+s16+$0x0], $0xffff  }
0xe0: {  	v35 =	vadd.f32 v36, v35;
	v36 =	vmul.f32 v37, v26;
	v37 =	vmul.f32 v38, v43;
	v38 =	vld.idx.msk [tilespmem:v48+s17+$0x0], $0xffff  }
0xe1: {  	v48 =	vor.u32 v14, v34;
	v43 =	vld.idx.msk [tilespmem:v44+s16+$0x0], $0xffff  }
0xe2: {  	v35 =	vadd.f32 v36, v35;
	v36 =	vmul.f32 v37, v25;
	v37 =	vmul.f32 v40, v39;
	v39 =	vld.idx.msk [tilespmem:v44+s17+$0x0], $0xffff  }
0xe3: {  	v44 =	vor.u32 v15, v34;
	v40 =	vld.idx.msk [tilespmem:v45+s16+$0x0], $0xffff  }
0xe4: {  	v35 =	vadd.f32 v36, v35;
	v36 =	vmul.f32 v37, v24;
	v37 =	vmul.f32 v42, v41;
	v41 =	vld.idx.msk [tilespmem:v45+s17+$0x0], $0xffff  }
0xe5: {  	v34 =	vor.u32 v16, v34;
	v42 =	vld.idx.msk [tilespmem:v47+s16+$0x0], $0xffff  }
0xe6: {  	v35 =	vadd.f32 v36, v35;
	v36 =	vmul.f32 v37, v23;
	v37 =	vmul.f32 v38, v46;
	v38 =	vld.idx.msk [tilespmem:v47+s17+$0x0], $0xffff  }
0xe7: {  	v45 =	vld.idx.msk [tilespmem:v48+s16+$0x0], $0xffff  }
0xe8: {  	v35 =	vadd.f32 v36, v35;
	v36 =	vmul.f32 v37, v22;
	v37 =	vmul.f32 v39, v43;
	v39 =	vld.idx.msk [tilespmem:v48+s17+$0x0], $0xffff  }
0xe9: {  	v43 =	vld.idx.msk [tilespmem:v44+s16+$0x0], $0xffff  }
0xea: {  	v35 =	vadd.f32 v36, v35;
	v36 =	vmul.f32 v37, v21;
	v37 =	vmul.f32 v41, v40;
	v40 =	vld.idx.msk [tilespmem:v44+s17+$0x0], $0xffff  }
0xeb: {  	v41 =	vld.idx.msk [tilespmem:v34+s16+$0x0], $0xffff  }
0xec: {  	v35 =	vadd.f32 v36, v35;
	v36 =	vmul.f32 v37, v20;
	v37 =	vmul.f32 v38, v42;
	v34 =	vld.idx.msk [tilespmem:v34+s17+$0x0], $0xffff;
	_ =	sdelay $0x1  }
0xed: {  	v35 =	vadd.f32 v36, v35;
	v36 =	vmul.f32 v37, v19;
	v37 =	vmul.f32 v39, v45;
	_ =	sdelay $0x1  }
0xee: {  	v35 =	vadd.f32 v36, v35;
	v36 =	vmul.f32 v37, v18;
	v37 =	vmul.f32 v40, v43;
	_ =	sdelay $0x1  }
0xef: {  	v35 =	vadd.f32 v36, v35;
	v36 =	vmul.f32 v37, v17;
	v34 =	vmul.f32 v34, v41;
	_ =	sdelay $0x1  }
0xf0: {  	v35 =	vadd.f32 v36, v35;
	v34 =	vmul.f32 v34, v32;
	_ =	sdelay $0x1  }
0xf1: {  	v34 =	vadd.f32 v34, v35;
	_ =	sdelay $0x1  }
0xf2: {  	v34 =	vadd.f32 v34, v33;
	_ =	sdelay $0x1  }
0xf3: {  	v34 =	vsub.f32 $0.0e+00, v34;
	_ =	sdelay $0x1  }
0xf4: {  	v34 =	vmul.f32 $1.442695020e+00, v34;
	_ =	sdelay $0x1  }
0xf5: {  	(erf) = vpow2.f32 v34;
	_ =	sdelay $0x8  }
0xf6: {  	v34 =	vpop (erf)  }
0xf7: {  	v34 =	vadd.f32 $1.000000000e+00, v34;
	_ =	sdelay $0x1  }
.Ltmp0:
0xf8: {  	(erf) = vrcp.f32 v34;
	(pc) =	sbr.rel @p0 .LBB2_2-.Ltmp0, $3  }
0xf9: {  	_ =	sdelay $0x1  }
0xfa: {  	v34 =	vmov s0  }
0xfb: {  	s0 =	sadd.s32 $0x10, s0;
	v34 =	vshll.u32 v34, $0x4  }
0xfc: {  	v34 =	vor.u32 v1, v34  }
0xfd: {  	v35 =	vor.u32 v0, v34;
	_ =	sdelay $0x1  }
0xfe: {  	v36 =	vor.u32 v2, v34  }
0xff: {  	s0 =	sadd.s32 $0x10, s3;
	v37 =	vpop (erf)  }
0x100: {  	v38 =	vor.u32 v3, v34;
	[tilespmem:s0+$0x0] =	vst v37  }
0x101: {  	v37 =	vld.idx.msk [tilespmem:v35+s17+$0x0], $0xffff  }
0x102: {  	v39 =	vor.u32 v4, v34;
	v35 =	vld.idx.msk [tilespmem:v35+s16+$0x0], $0xffff  }
0x103: {  	v40 =	vld.idx.msk [tilespmem:v36+s16+$0x0], $0xffff  }
0x104: {  	v41 =	vor.u32 v5, v34;
	v36 =	vld.idx.msk [tilespmem:v36+s17+$0x0], $0xffff  }
0x105: {  	v42 =	vld.idx.msk [tilespmem:v38+s16+$0x0], $0xffff  }
0x106: {  	v43 =	vor.u32 v6, v34;
	v38 =	vld.idx.msk [tilespmem:v38+s17+$0x0], $0xffff  }
0x107: {  	v44 =	vld.idx.msk [tilespmem:v39+s16+$0x0], $0xffff;
	v35 =	vmul.f32 v37, v35  }
0x108: {  	v62 =	vor.u32 v8, v34;
	v61 =	vld.idx.msk [tilespmem:v39+s17+$0x0], $0xffff  }
0x109: {  	v45 =	vld.idx.msk [tilespmem:v41+s16+$0x0], $0xffff;
	v63 =	vmul.f32 v36, v40;
	v31 =	vmul.f32 v35, v31  }
0x10a: {  	v47 =	vor.u32 v9, v34;
	v46 =	vld.idx.msk [tilespmem:v41+s17+$0x0], $0xffff  }
0x10b: {  	v48 =	vld.idx.msk [tilespmem:v43+s16+$0x0], $0xffff;
	v49 =	vmul.f32 v38, v42;
	v30 =	vmul.f32 v63, v30;
	v31 =	vadd.f32 $0.0e+00, v31  }
0x10c: {  	v50 =	vor.u32 v7, v34;
	v51 =	vld.idx.msk [tilespmem:v43+s17+$0x0], $0xffff  }
0x10d: {  	v52 =	vld.idx.msk [tilespmem:v62+s16+$0x0], $0xffff;
	v53 =	vmul.f32 v61, v44;
	v29 =	vmul.f32 v49, v29;
	v30 =	vadd.f32 v30, v31  }
0x10e: {  	v54 =	vor.u32 v10, v34;
	v55 =	vld.idx.msk [tilespmem:v62+s17+$0x0], $0xffff  }
0x10f: {  	v56 =	vld.idx.msk [tilespmem:v47+s16+$0x0], $0xffff;
	v57 =	vmul.f32 v46, v45;
	v28 =	vmul.f32 v53, v28;
	v29 =	vadd.f32 v29, v30  }
0x110: {  	v58 =	vor.u32 v11, v34;
	v59 =	vld.idx.msk [tilespmem:v47+s17+$0x0], $0xffff  }
0x111: {  	v60 =	vld.idx.msk [tilespmem:v50+s16+$0x0], $0xffff;
	v61 =	vmul.f32 v51, v48;
	v27 =	vmul.f32 v57, v27;
	v28 =	vadd.f32 v28, v29  }
0x112: {  	v62 =	vor.u32 v12, v34;
	v38 =	vld.idx.msk [tilespmem:v50+s17+$0x0], $0xffff  }
0x113: {  	v42 =	vmul.f32 v55, v52;
	v63 =	vld.idx.msk [tilespmem:v54+s16+$0x0], $0xffff;
	v26 =	vmul.f32 v61, v26;
	v27 =	vadd.f32 v27, v28  }
0x114: {  	v43 =	vor.u32 v13, v34;
	v35 =	vld.idx.msk [tilespmem:v54+s17+$0x0], $0xffff  }
0x115: {  	v44 =	vld.idx.msk [tilespmem:v58+s16+$0x0], $0xffff;
	v45 =	vmul.f32 v59, v56;
	v25 =	vmul.f32 v42, v25;
	v26 =	vadd.f32 v26, v27  }
0x116: {  	v46 =	vor.u32 v14, v34;
	v31 =	vld.idx.msk [tilespmem:v58+s17+$0x0], $0xffff  }
0x117: {  	v47 =	vld.idx.msk [tilespmem:v62+s16+$0x0], $0xffff;
	v24 =	vmul.f32 v45, v24;
	v48 =	vmul.f32 v38, v60;
	v25 =	vadd.f32 v25, v26  }
0x118: {  	v49 =	vor.u32 v15, v34;
	v30 =	vld.idx.msk [tilespmem:v62+s17+$0x0], $0xffff  }
0x119: {  	v50 =	vld.idx.msk [tilespmem:v43+s16+$0x0], $0xffff;
	v23 =	vmul.f32 v48, v23;
	v51 =	vmul.f32 v35, v63;
	v24 =	vadd.f32 v24, v25  }
0x11a: {  	v52 =	vor.u32 v16, v34;
	v29 =	vld.idx.msk [tilespmem:v43+s17+$0x0], $0xffff  }
0x11b: {  	v53 =	vld.idx.msk [tilespmem:v46+s16+$0x0], $0xffff;
	v22 =	vmul.f32 v51, v22;
	v54 =	vmul.f32 v31, v44;
	v23 =	vadd.f32 v23, v24  }
0x11c: {  	v55 =	vld.idx.msk [tilespmem:v46+s17+$0x0], $0xffff  }
0x11d: {  	v56 =	vld.idx.msk [tilespmem:v49+s16+$0x0], $0xffff;
	v21 =	vmul.f32 v54, v21;
	v57 =	vmul.f32 v30, v47;
	v22 =	vadd.f32 v22, v23  }
0x11e: {  	v58 =	vld.idx.msk [tilespmem:v49+s17+$0x0], $0xffff  }
0x11f: {  	v59 =	vld.idx.msk [tilespmem:v52+s16+$0x0], $0xffff;
	v20 =	vmul.f32 v57, v20;
	v60 =	vmul.f32 v29, v50;
	v21 =	vadd.f32 v21, v22  }
0x120: {  	v61 =	vld.idx.msk [tilespmem:v52+s17+$0x0], $0xffff  }
0x121: {  	v62 =	vmul.f32 v55, v53;
	v19 =	vmul.f32 v60, v19;
	v20 =	vadd.f32 v20, v21;
	_ =	sdelay $0x1  }
0x122: {  	v18 =	vmul.f32 v62, v18;
	v63 =	vmul.f32 v58, v56;
	v19 =	vadd.f32 v19, v20;
	_ =	sdelay $0x1  }
0x123: {  	v17 =	vmul.f32 v63, v17;
	v18 =	vadd.f32 v18, v19;
	v19 =	vmul.f32 v61, v59;
	_ =	sdelay $0x1  }
0x124: {  	v17 =	vadd.f32 v17, v18;
	v18 =	vmul.f32 v19, v32;
	_ =	sdelay $0x1  }
0x125: {  	v17 =	vadd.f32 v18, v17;
	_ =	sdelay $0x1  }
0x126: {  	v17 =	vadd.f32 v17, v33;
	_ =	sdelay $0x1  }
0x127: {  	v17 =	vsub.f32 $0.0e+00, v17;
	_ =	sdelay $0x1  }
0x128: {  	v17 =	vmul.f32 $1.442695020e+00, v17;
	_ =	sdelay $0x1  }
0x129: {  	(erf) = vpow2.f32 v17;
	_ =	sdelay $0x8  }
0x12a: {  	v17 =	vpop (erf)  }
0x12b: {  	v17 =	vadd.f32 $1.000000000e+00, v17;
	_ =	sdelay $0x1  }
0x12c: {  	(erf) = vrcp.f32 v17;
	_ =	sdelay $0x7  }
0x12d: {  	s1 =	sadd.s32 $0x1, s1  }
0x12e: {  	p0 =	sne.s32 s1, s10;
	s0 =	sadd.s32 $0x10, s0;
	v17 =	vpop (erf)  }
.Ltmp1:
0x12f: {  	[tilespmem:s0+$0x0] =	vst v17;
	(pc) =	sbr.rel @p0 .LBB2_1-.Ltmp1, $4  }
0x130: {  	[hbm4b:s9+s2] =	stream.linear.scatter [tilespmem:s31], [sflag:$0x2], $0x200, $0x38;
	[tilespmem:$0x4710] =	vst v63  }
0x131: {  	_ =	swait.ge [sflag:s11], $0x200  }
0x132: {  	[sflag:s11] =	ssyncset.done $0x0  }
0x133: {  	[sflag:s11] =	ssyncadd.s32 $0xFFFFFE00  }
0x134: {  	_ =	sfence.sel $0x180000  }
0x135: {  	[bflag:$0x0] =	sbarrier.arrive $0xFFFF  }
0x136: {  	_ =	strace $0x90000047  }
0x137: {  	s0 =	stileid.u32;
	[bflag:$0x2] =	sbarrier.arrive $0xFFFF  }
0x138: {  	p0 =	sne.s32 s0, $0x0;
	s0 =	rddreg [dreg:$0x5]  }
0x139: {  	s0 =	sadd.s32 @!p0 $0x100000, s0  }
0x13a: {  	[sflag:s0] =	ssyncadd.tile.s32 @!p0 $0x1;
	_ =	shalt  }
.Lfunc_end2:
_tile_overlayer_lowered:
.L_overlay_start_2:
0x13b: {  	(tag) =	ssettag $0x2  }
0x13c: {  	s0 =	rddreg [dreg:$0x0];
	s2 =	stileid.u32  }
0x13d: {  	s1 =	rddreg [dreg:$0x1];
	p0 =	sne.s32 s2, $0x0  }
0x13e: {  	s3 =	rddreg [dreg:$0x2];
	[bflag:$0x3] =	sbarrier.arrive $0xFFFF;
	s2 =	simm.s32 @!p0 $0x1C02  }
0x13f: {  	[timem:s3], [sflag:s2] =	dma.local @!p0 [hbm:s0], s1  }
0x140: {  	s0 =	simm.s32 @!p0 $0x2  }
0x141: {  	_ =	swait.ge @!p0 [sflag:s0], s1  }
0x142: {  	s1 =	ssub.s32 @!p0 $0x0, s1;
	[sflag:s0] =	ssyncset.done @!p0 $0x0  }
0x143: {  	[sflag:s0] =	ssyncadd.s32 @!p0 s1  }
0x144: {  	[bflag:$0x3] =	sbarrier.arrive $0xFFFF  }
0x145: {  	_ =	shalt  }

</sc_bundles>
